<compile_context>
chip_gen: v7x
topology: tpu7x:2x2x1
jax: 0.10.2.dev20260603
libtpu: 0.0.44.dev20260713+nightly
codegen_flags: <defaults>
</compile_context>

<pallas_src>
import functools

import jax
import jax.numpy as jnp
from jax import lax
from jax.experimental import pallas as pl
from jax.experimental.pallas import tpu as pltpu
from jax.experimental.pallas import tpu_sc as plsc

A = 128
E = 16
C = 256
M = 32
N = 10000
KC = A + E
EPS = 1e-5
SLOPE = 0.01

BN = 200
NB = N // BN
R = BN * M

NC = 2
NS = 16
NW = NC * NS
H = 2
ROWS_H = (N * M) // H
PER_W = ROWS_H // NW
CH = 40
NCH = PER_W // CH
NBH = NB // H
A2 = A // 2


def _leaky(x):
    return jnp.maximum(x, SLOPE * x)


@functools.cache
def _make_sc_gather():
    mesh = plsc.VectorSubcoreMesh(core_axis_name="c", subcore_axis_name="s")

    @functools.partial(
        pl.kernel,
        mesh=mesh,
        out_type=jax.ShapeDtypeStruct((ROWS_H, A), jnp.float32),
        scratch_types=[
            pltpu.VMEM((PER_W,), jnp.int32),
            pltpu.VMEM((2, CH, A), jnp.float32),
            pltpu.VMEM_SHARED((N, A), jnp.float32),
            pltpu.SemaphoreType.DMA,
            pltpu.SemaphoreType.DMA,
            pltpu.SemaphoreType.DMA,
            pltpu.SemaphoreType.DMA,
        ],
    )
    def _sc_gather(atom_hbm, idx_hbm, out_hbm, idx_v, rows_v, table_s,
                   gsem0, gsem1, ssem0, ssem1):
        sid = lax.axis_index("s")
        wid = sid * NC + lax.axis_index("c")
        base = wid * PER_W

        @pl.when(sid == 0)
        def _():
            pltpu.sync_copy(atom_hbm, table_s)

        pltpu.sync_copy(idx_hbm.at[pl.ds(base, PER_W)], idx_v)
        plsc.subcore_barrier()
        gsems = (gsem0, gsem1)
        ssems = (ssem0, ssem1)

        def chunk_idx(i):
            return idx_v.at[pl.ds(i * CH, CH)]

        def out_rows(c):
            return out_hbm.at[pl.ds(base + c * CH, CH)]

        def start_g(c, slot):
            pltpu.async_copy(table_s.at[chunk_idx(c)], rows_v.at[slot],
                             gsems[slot])

        def wait_g(c, slot):
            pltpu.make_async_copy(table_s.at[chunk_idx(c)], rows_v.at[slot],
                                  gsems[slot]).wait()

        def start_st(c, slot):
            pltpu.async_copy(rows_v.at[slot], out_rows(c), ssems[slot])

        def wait_st(c, slot):
            pltpu.make_async_copy(rows_v.at[slot], out_rows(c),
                                  ssems[slot]).wait()

        start_g(0, 0)
        start_g(1, 1)

        def body(j, _):
            wait_g(2 * j, 0)
            start_st(2 * j, 0)
            wait_g(2 * j + 1, 1)
            start_st(2 * j + 1, 1)
            wait_st(2 * j, 0)
            start_g(2 * j + 2, 0)
            wait_st(2 * j + 1, 1)
            start_g(2 * j + 3, 1)
            return 0

        lax.fori_loop(0, (NCH - 3) // 2, body, 0)
        c0, c1, c2 = NCH - 3, NCH - 2, NCH - 1
        wait_g(c0, 0)
        start_st(c0, 0)
        wait_g(c1, 1)
        start_st(c1, 1)
        wait_st(c0, 0)
        start_g(c2, 0)
        wait_st(c1, 1)
        wait_g(c2, 0)
        start_st(c2, 0)
        wait_st(c2, 0)

    return _sc_gather


def _act_block(anbr_ref, nbr_ref, atom_ref, wst_ref, b_ref, wcat_ref):
    s_blk = (
        jnp.dot(atom_ref[...].astype(jnp.bfloat16), wst_ref[...],
                preferred_element_type=jnp.float32)
        + b_ref[...]
    )
    x = jnp.concatenate([anbr_ref[...].astype(jnp.bfloat16), nbr_ref[...]],
                        axis=1)
    act = jnp.dot(x, wcat_ref[...], preferred_element_type=jnp.float32)
    act = act.reshape(BN, M, C) + s_blk[:, None, :]
    return act.reshape(R, C)


def _stats_body(anbr_ref, nbr_ref, atom_ref, wst_ref, b_ref, wcat_ref, stats_ref):
    i = pl.program_id(0)
    act = _act_block(anbr_ref, nbr_ref, atom_ref, wst_ref, b_ref, wcat_ref)
    s1 = jnp.sum(act, axis=0, keepdims=True)
    s2 = jnp.sum(act * act, axis=0, keepdims=True)
    st = jnp.concatenate([s1, s2], axis=0)

    @pl.when(i == 0)
    def _():
        stats_ref[...] = jnp.zeros_like(stats_ref)

    stats_ref[...] += st


def _gate_body(anbr_ref, nbr_ref, atom_ref, wst_ref, b_ref, wcat_ref,
               stats_ref, g1_ref, b1_ref, ns_ref, st2_ref):
    i = pl.program_id(0)
    cnt = float(N * M)
    mean = stats_ref[0:1, :] / cnt
    var = stats_ref[1:2, :] / cnt - mean * mean
    scale = g1_ref[...] * lax.rsqrt(var + EPS)
    shift = b1_ref[...] - mean * scale
    wcat_s = (wcat_ref[...].astype(jnp.float32) * scale).astype(jnp.bfloat16)
    s_blk = (
        jnp.dot(atom_ref[...].astype(jnp.bfloat16), wst_ref[...],
                preferred_element_type=jnp.float32)
        + b_ref[...]
    ) * scale + shift
    x = jnp.concatenate([anbr_ref[...].astype(jnp.bfloat16), nbr_ref[...]],
                        axis=1)
    y = jnp.dot(x, wcat_s, preferred_element_type=jnp.float32)
    y = (y.reshape(BN, M, C) + s_blk[:, None, :]).reshape(R, C)
    f = jax.nn.sigmoid(y[:, :A])
    co = _leaky(y[:, A:])
    ns = (f * co).reshape(BN, M, A).sum(axis=1)
    ns_ref[...] = ns
    s1 = jnp.sum(ns, axis=0, keepdims=True)
    s2 = jnp.sum(ns * ns, axis=0, keepdims=True)
    st = jnp.concatenate([s1, s2], axis=0)

    @pl.when(i == 0)
    def _():
        st2_ref[...] = jnp.zeros_like(st2_ref)

    st2_ref[...] += st


def _final_body(atom_ref, ns_ref, st2_ref, g2_ref, b2_ref, out_ref):
    cnt = float(N)
    mean = st2_ref[0:1, :] / cnt
    var = st2_ref[1:2, :] / cnt - mean * mean
    scale = g2_ref[...] * lax.rsqrt(var + EPS)
    shift = b2_ref[...] - mean * scale
    v = atom_ref[...] + ns_ref[...] * scale + shift
    out_ref[...] = _leaky(v)


def kernel(atom_in_fea, nbr_fea, nbr_fea_idx, W_fc, b_fc,
           bn1_gamma, bn1_beta, bn2_gamma, bn2_beta):
    idx = nbr_fea_idx.astype(jnp.int32).reshape(N * M)
    nbr_flat = nbr_fea.reshape(N * M, E).astype(jnp.bfloat16)
    wst = W_fc[:, :A].T.astype(jnp.bfloat16)
    wcat = jnp.concatenate([W_fc[:, A:2 * A], W_fc[:, 2 * A:]],
                           axis=1).T.astype(jnp.bfloat16)
    b2d = b_fc.reshape(1, C)
    g1 = bn1_gamma.reshape(1, C)
    b1 = bn1_beta.reshape(1, C)
    g2 = bn2_gamma.reshape(1, A)
    b2 = bn2_beta.reshape(1, A)

    gather = _make_sc_gather()
    anbr_h = [gather(atom_in_fea, idx[h * ROWS_H:(h + 1) * ROWS_H])
              for h in range(H)]

    def edge_specs(h):
        return [
            pl.BlockSpec((R, A), lambda i: (i, 0)),
            pl.BlockSpec((R, E), lambda i, h=h: (i + h * NBH, 0)),
            pl.BlockSpec((BN, A), lambda i, h=h: (i + h * NBH, 0)),
            pl.BlockSpec((A, C), lambda i: (0, 0)),
            pl.BlockSpec((1, C), lambda i: (0, 0)),
            pl.BlockSpec((KC, C), lambda i: (0, 0)),
        ]

    stats_h = [
        pl.pallas_call(
            _stats_body,
            grid=(NBH,),
            in_specs=edge_specs(h),
            out_specs=pl.BlockSpec((2, C), lambda i: (0, 0)),
            out_shape=jax.ShapeDtypeStruct((2, C), jnp.float32),
        )(anbr_h[h], nbr_flat, atom_in_fea, wst, b2d, wcat)
        for h in range(H)
    ]
    stats = sum(stats_h[1:], stats_h[0])

    ns_h, st2_h = [], []
    for h in range(H):
        ns, st2 = pl.pallas_call(
            _gate_body,
            grid=(NBH,),
            in_specs=edge_specs(h) + [
                pl.BlockSpec((2, C), lambda i: (0, 0)),
                pl.BlockSpec((1, C), lambda i: (0, 0)),
                pl.BlockSpec((1, C), lambda i: (0, 0)),
            ],
            out_specs=[
                pl.BlockSpec((BN, A), lambda i: (i, 0)),
                pl.BlockSpec((2, A), lambda i: (0, 0)),
            ],
            out_shape=[
                jax.ShapeDtypeStruct((N // H, A), jnp.float32),
                jax.ShapeDtypeStruct((2, A), jnp.float32),
            ],
        )(anbr_h[h], nbr_flat, atom_in_fea, wst, b2d, wcat, stats, g1, b1)
        ns_h.append(ns)
        st2_h.append(st2)
    ns = jnp.concatenate(ns_h, axis=0)
    st2 = sum(st2_h[1:], st2_h[0])

    out = pl.pallas_call(
        _final_body,
        in_specs=[
            pl.BlockSpec((N, A), lambda: (0, 0)),
            pl.BlockSpec((N, A), lambda: (0, 0)),
            pl.BlockSpec((2, A), lambda: (0, 0)),
            pl.BlockSpec((1, A), lambda: (0, 0)),
            pl.BlockSpec((1, A), lambda: (0, 0)),
        ],
        out_specs=pl.BlockSpec((N, A), lambda: (0, 0)),
        out_shape=jax.ShapeDtypeStruct((N, A), jnp.float32),
    )(atom_in_fea, ns, st2, g2, b2)
    return out

# --- scband reference (transcript-rebuilt; emitter-appended) ---
"""Pipeline reference for scband-conv-layer-1709396984468 (READ-ONLY COPY).

The authoritative reference and input builder live on the scoring server;
editing this copy changes nothing except your own understanding.
"""

import jax, jax.numpy as jnp
import numpy as np

ATOM_FEA_LEN = 128
NBR_FEA_LEN = 16
N = 10000
M = 32
EPS = 1e-5
NEG_SLOPE = 0.01


def setup_inputs(seed: int = 0) -> dict:
    key = jax.random.key(seed)
    k1, k2, k3, k4, k5 = jax.random.split(key, 5)
    atom_in_fea = jax.random.normal(k1, (N, ATOM_FEA_LEN), dtype=jnp.float32)
    nbr_fea = jax.random.normal(k2, (N, M, NBR_FEA_LEN), dtype=jnp.float32)
    nbr_fea_idx = jax.random.randint(k3, (N, M), 0, N, dtype=jnp.int64)
    in_dim = 2 * ATOM_FEA_LEN + NBR_FEA_LEN
    out_dim = 2 * ATOM_FEA_LEN
    bound = 1.0 / np.sqrt(in_dim)
    W_fc = jax.random.uniform(k4, (out_dim, in_dim), minval=-bound, maxval=bound, dtype=jnp.float32)
    b_fc = jax.random.uniform(k5, (out_dim,), minval=-bound, maxval=bound, dtype=jnp.float32)
    bn1_gamma = jnp.ones((out_dim,), dtype=jnp.float32)
    bn1_beta = jnp.zeros((out_dim,), dtype=jnp.float32)
    bn2_gamma = jnp.ones((ATOM_FEA_LEN,), dtype=jnp.float32)
    bn2_beta = jnp.zeros((ATOM_FEA_LEN,), dtype=jnp.float32)
    return {
        'atom_in_fea': atom_in_fea,
        'nbr_fea': nbr_fea,
        'nbr_fea_idx': nbr_fea_idx,
        'W_fc': W_fc,
        'b_fc': b_fc,
        'bn1_gamma': bn1_gamma,
        'bn1_beta': bn1_beta,
        'bn2_gamma': bn2_gamma,
        'bn2_beta': bn2_beta,
    }


def _leaky_relu(x, neg_slope=NEG_SLOPE):
    return jnp.where(x >= 0, x, neg_slope * x)


def _batch_norm(x, gamma, beta):
    # training-mode batch norm over axis 0 (biased variance, like torch)
    mean = jnp.mean(x, axis=0)
    var = jnp.var(x, axis=0)
    return (x - mean) / jnp.sqrt(var + EPS) * gamma + beta


def reference(atom_in_fea, nbr_fea, nbr_fea_idx, W_fc, b_fc, bn1_gamma, bn1_beta, bn2_gamma, bn2_beta):
    n, m = nbr_fea_idx.shape
    atom_nbr_fea = jnp.take(atom_in_fea, nbr_fea_idx, axis=0)  # (N, M, A)
    self_fea = jnp.broadcast_to(atom_in_fea[:, None, :], (n, m, ATOM_FEA_LEN))
    total_nbr_fea = jnp.concatenate([self_fea, atom_nbr_fea, nbr_fea], axis=2)
    total_gated_fea = jnp.dot(total_nbr_fea, W_fc.T) + b_fc  # (N, M, 2A)
    flat = total_gated_fea.reshape(-1, 2 * ATOM_FEA_LEN)
    flat = _batch_norm(flat, bn1_gamma, bn1_beta)
    total_gated_fea = flat.reshape(n, m, 2 * ATOM_FEA_LEN)
    nbr_filter = total_gated_fea[:, :, :ATOM_FEA_LEN]
    nbr_core = total_gated_fea[:, :, ATOM_FEA_LEN:]
    nbr_filter = jax.nn.sigmoid(nbr_filter)
    nbr_core = _leaky_relu(nbr_core)
    nbr_sumed = jnp.sum(nbr_filter * nbr_core, axis=1)  # (N, A)
    nbr_sumed = _batch_norm(nbr_sumed, bn2_gamma, bn2_beta)
    out = _leaky_relu(atom_in_fea + nbr_sumed)
    return out

if __name__ == "__main__":
    import jax
    _d = setup_inputs()
    print(jax.jit(kernel)(*tuple(_d.values())))

</pallas_src>

<mosaic_0001>
#map = affine_map<(d0, d1) -> (0, 0)>
#map1 = affine_map<(d0, d1) -> (0)>
module attributes {stable_mosaic.version = 14 : i64} {
  func.func @_sc_gather(%arg0: i32, %arg1: i32, %arg2: memref<10000x128xf32, #tpu.memory_space<hbm>>, %arg3: memref<160000xi32, #tpu.memory_space<hbm>>, %arg4: memref<160000x128xf32, #tpu.memory_space<hbm>>, %arg5: memref<5000xi32, #tpu.memory_space<vmem>>, %arg6: memref<2x40x128xf32, #tpu.memory_space<vmem>>, %arg7: memref<10000x128xf32, #tpu.memory_space<vmem_shared>>, %arg8: memref<!tpu.dma_semaphore, #tpu.memory_space<semaphore_mem>>, %arg9: memref<!tpu.dma_semaphore, #tpu.memory_space<semaphore_mem>>, %arg10: memref<!tpu.dma_semaphore, #tpu.memory_space<semaphore_mem>>, %arg11: memref<!tpu.dma_semaphore, #tpu.memory_space<semaphore_mem>>) attributes {dimension_semantics = [#tpu.dimension_semantics<core_parallel>, #tpu.dimension_semantics<subcore_parallel>], iteration_bounds = array<i64: 2, 16>, scalar_prefetch = 0 : i64, scratch_operands = 7 : i64, tpu.core_type = #tpu.core_type<sc_vector_subcore>, window_params = [{transform_indices = #map}, {transform_indices = #map1}, {transform_indices = #map}]} {
    %mul3A = arith.constant 2 : i32
    %mul3A_0 = arith.muli %arg1, %mul3A : i32
    %add3A = arith.addi %mul3A_0, %arg0 : i32
    %mul3A_1 = arith.constant 5000 : i32
    %mul3A_2 = arith.muli %add3A, %mul3A_1 : i32
    %eq3A = arith.constant 0 : i32
    %eq3A_3 = arith.cmpi eq, %arg1, %eq3A : i32
    %convert_element_type3A = arith.extui %eq3A_3 : i1 to i32
    %cond3A = arith.constant 0 : i32
    %cond3A_4 = arith.cmpi ne, %convert_element_type3A, %cond3A : i32
    scf.if %cond3A_4 {
      "tpu.region"() ({
        %run_scoped3A = tpu.sem_alloc : memref<!tpu.dma_semaphore, #tpu.memory_space<semaphore_mem>>
        tpu.enqueue_dma source(%arg2 : memref<10000x128xf32, #tpu.memory_space<hbm>>) target(%arg7 : memref<10000x128xf32, #tpu.memory_space<vmem_shared>>) target_semaphore(%run_scoped3A : memref<!tpu.dma_semaphore, #tpu.memory_space<semaphore_mem>>)
        tpu.wait_dma2 semaphore(%run_scoped3A : memref<!tpu.dma_semaphore, #tpu.memory_space<semaphore_mem>>) src(%arg2 : memref<10000x128xf32, #tpu.memory_space<hbm>>) dst(%arg7 : memref<10000x128xf32, #tpu.memory_space<vmem_shared>>)
        tpu.yield
      }) : () -> ()
    } else {
    }
    "tpu.region"() ({
      %run_scoped3A = tpu.sem_alloc : memref<!tpu.dma_semaphore, #tpu.memory_space<semaphore_mem>>
      %dma_start3A_159 = tpu.memref_slice %arg3[%mul3A_2] : memref<160000xi32, #tpu.memory_space<hbm>> -> memref<5000xi32, #tpu.memory_space<hbm>>
      %dma_start3A_160 = tpu.memref_slice %arg3[%mul3A_2] : memref<160000xi32, #tpu.memory_space<hbm>> -> memref<5000xi32, #tpu.memory_space<hbm>>
      tpu.enqueue_dma source(%dma_start3A_160 : memref<5000xi32, #tpu.memory_space<hbm>>) target(%arg5 : memref<5000xi32, #tpu.memory_space<vmem>>) target_semaphore(%run_scoped3A : memref<!tpu.dma_semaphore, #tpu.memory_space<semaphore_mem>>)
      %dma_wait3A_161 = tpu.memref_slice %arg3[%mul3A_2] : memref<160000xi32, #tpu.memory_space<hbm>> -> memref<5000xi32, #tpu.memory_space<hbm>>
      %dma_wait3A_162 = tpu.memref_slice %arg3[%mul3A_2] : memref<160000xi32, #tpu.memory_space<hbm>> -> memref<5000xi32, #tpu.memory_space<hbm>>
      tpu.wait_dma2 semaphore(%run_scoped3A : memref<!tpu.dma_semaphore, #tpu.memory_space<semaphore_mem>>) src(%dma_wait3A_162 : memref<5000xi32, #tpu.memory_space<hbm>>) dst(%arg5 : memref<5000xi32, #tpu.memory_space<vmem>>)
      tpu.yield
    }) : () -> ()
    %barrier3A = arith.constant 0 : index
    tpu.barrier barrier_id(%barrier3A)
    %dma_start3A = arith.constant 0 : i32
    %dma_start3A_5 = arith.constant 0 : i32
    %dma_start3A_6 = arith.constant 0 : i32
    %dma_start3A_7 = tpu.memref_slice %arg6[%dma_start3A, %dma_start3A_5, %dma_start3A_6] : memref<2x40x128xf32, #tpu.memory_space<vmem>> -> memref<1x40x128xf32, #tpu.memory_space<vmem>>
    %dma_start3A_8 = tpu.memref_squeeze %dma_start3A_7 : memref<1x40x128xf32, #tpu.memory_space<vmem>> -> memref<40x128xf32, #tpu.memory_space<vmem>>
    %dma_start3A_9 = arith.constant 0 : i32
    %dma_start3A_10 = tpu.memref_slice %arg5[%dma_start3A_9] : memref<5000xi32, #tpu.memory_space<vmem>> -> memref<40xi32, #tpu.memory_space<vmem>>
    %dma_start3A_11 = arith.constant 0 : i32
    %dma_start3A_12 = arith.constant 0 : i32
    %dma_start3A_13 = tpu.memref_slice %arg7[%dma_start3A_11, %dma_start3A_12] : memref<10000x128xf32, #tpu.memory_space<vmem_shared>> -> memref<10000x128xf32, #tpu.memory_space<vmem_shared>>
    tpu.enqueue_indirect_dma source(%dma_start3A_13 : memref<10000x128xf32, #tpu.memory_space<vmem_shared>>) target(%dma_start3A_8 : memref<40x128xf32, #tpu.memory_space<vmem>>) offsets(%dma_start3A_10 : memref<40xi32, #tpu.memory_space<vmem>>) semaphore(%arg8 : memref<!tpu.dma_semaphore, #tpu.memory_space<semaphore_mem>>)
    %dma_start3A_14 = arith.constant 1 : i32
    %dma_start3A_15 = arith.constant 0 : i32
    %dma_start3A_16 = arith.constant 0 : i32
    %dma_start3A_17 = tpu.memref_slice %arg6[%dma_start3A_14, %dma_start3A_15, %dma_start3A_16] : memref<2x40x128xf32, #tpu.memory_space<vmem>> -> memref<1x40x128xf32, #tpu.memory_space<vmem>>
    %dma_start3A_18 = tpu.memref_squeeze %dma_start3A_17 : memref<1x40x128xf32, #tpu.memory_space<vmem>> -> memref<40x128xf32, #tpu.memory_space<vmem>>
    %dma_start3A_19 = arith.constant 40 : i32
    %dma_start3A_20 = tpu.memref_slice %arg5[%dma_start3A_19] : memref<5000xi32, #tpu.memory_space<vmem>> -> memref<40xi32, #tpu.memory_space<vmem>>
    %dma_start3A_21 = arith.constant 0 : i32
    %dma_start3A_22 = arith.constant 0 : i32
    %dma_start3A_23 = tpu.memref_slice %arg7[%dma_start3A_21, %dma_start3A_22] : memref<10000x128xf32, #tpu.memory_space<vmem_shared>> -> memref<10000x128xf32, #tpu.memory_space<vmem_shared>>
    tpu.enqueue_indirect_dma source(%dma_start3A_23 : memref<10000x128xf32, #tpu.memory_space<vmem_shared>>) target(%dma_start3A_18 : memref<40x128xf32, #tpu.memory_space<vmem>>) offsets(%dma_start3A_20 : memref<40xi32, #tpu.memory_space<vmem>>) semaphore(%arg9 : memref<!tpu.dma_semaphore, #tpu.memory_space<semaphore_mem>>)
    %scan3A = arith.constant 0 : i32
    %scan3A_24 = arith.constant 0 : i32
    %scan3A_25 = arith.constant 61 : i32
    %scan3A_26 = arith.addi %scan3A_24, %scan3A_25 : i32
    %scan3A_27 = arith.constant 1 : i32
    %scan3A_28 = scf.for %scan3A_159 = %scan3A_24 to %scan3A_26 step %scan3A_27 iter_args(%scan3A_160 = %scan3A) -> (i32)  : i32 {
      %mul3A_161 = arith.constant 2 : i32
      %mul3A_162 = arith.muli %mul3A_161, %scan3A_159 : i32
      %mul3A_163 = arith.constant 40 : i32
      %mul3A_164 = arith.muli %mul3A_162, %mul3A_163 : i32
      %dma_wait3A_165 = arith.constant 0 : i32
      %dma_wait3A_166 = arith.constant 0 : i32
      %dma_wait3A_167 = arith.constant 0 : i32
      %dma_wait3A_168 = tpu.memref_slice %arg6[%dma_wait3A_165, %dma_wait3A_166, %dma_wait3A_167] : memref<2x40x128xf32, #tpu.memory_space<vmem>> -> memref<1x40x128xf32, #tpu.memory_space<vmem>>
      %dma_wait3A_169 = tpu.memref_squeeze %dma_wait3A_168 : memref<1x40x128xf32, #tpu.memory_space<vmem>> -> memref<40x128xf32, #tpu.memory_space<vmem>>
      %dma_wait3A_170 = tpu.memref_slice %arg5[%mul3A_164] : memref<5000xi32, #tpu.memory_space<vmem>> -> memref<40xi32, #tpu.memory_space<vmem>>
      %dma_wait3A_171 = arith.constant 0 : i32
      %dma_wait3A_172 = arith.constant 0 : i32
      %dma_wait3A_173 = tpu.memref_slice %arg7[%dma_wait3A_171, %dma_wait3A_172] : memref<10000x128xf32, #tpu.memory_space<vmem_shared>> -> memref<10000x128xf32, #tpu.memory_space<vmem_shared>>
      tpu.wait_indirect_dma semaphore(%arg8 : memref<!tpu.dma_semaphore, #tpu.memory_space<semaphore_mem>>) src(%dma_wait3A_173 : memref<10000x128xf32, #tpu.memory_space<vmem_shared>>) dst(%dma_wait3A_169 : memref<40x128xf32, #tpu.memory_space<vmem>>)
      %mul3A_174 = arith.constant 2 : i32
      %mul3A_175 = arith.muli %mul3A_174, %scan3A_159 : i32
      %mul3A_176 = arith.constant 40 : i32
      %mul3A_177 = arith.muli %mul3A_175, %mul3A_176 : i32
      %add3A_178 = arith.addi %mul3A_2, %mul3A_177 : i32
      %dma_start3A_179 = arith.constant 0 : i32
      %dma_start3A_180 = arith.constant 0 : i32
      %dma_start3A_181 = arith.constant 0 : i32
      %dma_start3A_182 = tpu.memref_slice %arg6[%dma_start3A_179, %dma_start3A_180, %dma_start3A_181] : memref<2x40x128xf32, #tpu.memory_space<vmem>> -> memref<1x40x128xf32, #tpu.memory_space<vmem>>
      %dma_start3A_183 = tpu.memref_squeeze %dma_start3A_182 : memref<1x40x128xf32, #tpu.memory_space<vmem>> -> memref<40x128xf32, #tpu.memory_space<vmem>>
      %dma_start3A_184 = arith.constant 0 : i32
      %dma_start3A_185 = tpu.memref_slice %arg4[%add3A_178, %dma_start3A_184] : memref<160000x128xf32, #tpu.memory_space<hbm>> -> memref<40x128xf32, #tpu.memory_space<hbm>>
      %dma_start3A_186 = arith.constant 0 : i32
      %dma_start3A_187 = tpu.memref_slice %arg4[%add3A_178, %dma_start3A_186] : memref<160000x128xf32, #tpu.memory_space<hbm>> -> memref<40x128xf32, #tpu.memory_space<hbm>>
      %dma_start3A_188 = arith.constant 0 : i32
      %dma_start3A_189 = arith.constant 0 : i32
      %dma_start3A_190 = tpu.memref_slice %arg6[%dma_start3A_179, %dma_start3A_188, %dma_start3A_189] : memref<2x40x128xf32, #tpu.memory_space<vmem>> -> memref<1x40x128xf32, #tpu.memory_space<vmem>>
      %dma_start3A_191 = tpu.memref_squeeze %dma_start3A_190 : memref<1x40x128xf32, #tpu.memory_space<vmem>> -> memref<40x128xf32, #tpu.memory_space<vmem>>
      tpu.enqueue_dma source(%dma_start3A_191 : memref<40x128xf32, #tpu.memory_space<vmem>>) target(%dma_start3A_187 : memref<40x128xf32, #tpu.memory_space<hbm>>) target_semaphore(%arg10 : memref<!tpu.dma_semaphore, #tpu.memory_space<semaphore_mem>>)
      %mul3A_192 = arith.constant 2 : i32
      %mul3A_193 = arith.muli %mul3A_192, %scan3A_159 : i32
      %add3A_194 = arith.constant 1 : i32
      %add3A_195 = arith.addi %mul3A_193, %add3A_194 : i32
      %mul3A_196 = arith.constant 40 : i32
      %mul3A_197 = arith.muli %add3A_195, %mul3A_196 : i32
      %dma_wait3A_198 = arith.constant 1 : i32
      %dma_wait3A_199 = arith.constant 0 : i32
      %dma_wait3A_200 = arith.constant 0 : i32
      %dma_wait3A_201 = tpu.memref_slice %arg6[%dma_wait3A_198, %dma_wait3A_199, %dma_wait3A_200] : memref<2x40x128xf32, #tpu.memory_space<vmem>> -> memref<1x40x128xf32, #tpu.memory_space<vmem>>
      %dma_wait3A_202 = tpu.memref_squeeze %dma_wait3A_201 : memref<1x40x128xf32, #tpu.memory_space<vmem>> -> memref<40x128xf32, #tpu.memory_space<vmem>>
      %dma_wait3A_203 = tpu.memref_slice %arg5[%mul3A_197] : memref<5000xi32, #tpu.memory_space<vmem>> -> memref<40xi32, #tpu.memory_space<vmem>>
      %dma_wait3A_204 = arith.constant 0 : i32
      %dma_wait3A_205 = arith.constant 0 : i32
      %dma_wait3A_206 = tpu.memref_slice %arg7[%dma_wait3A_204, %dma_wait3A_205] : memref<10000x128xf32, #tpu.memory_space<vmem_shared>> -> memref<10000x128xf32, #tpu.memory_space<vmem_shared>>
      tpu.wait_indirect_dma semaphore(%arg9 : memref<!tpu.dma_semaphore, #tpu.memory_space<semaphore_mem>>) src(%dma_wait3A_206 : memref<10000x128xf32, #tpu.memory_space<vmem_shared>>) dst(%dma_wait3A_202 : memref<40x128xf32, #tpu.memory_space<vmem>>)
      %mul3A_207 = arith.constant 2 : i32
      %mul3A_208 = arith.muli %mul3A_207, %scan3A_159 : i32
      %add3A_209 = arith.constant 1 : i32
      %add3A_210 = arith.addi %mul3A_208, %add3A_209 : i32
      %mul3A_211 = arith.constant 40 : i32
      %mul3A_212 = arith.muli %add3A_210, %mul3A_211 : i32
      %add3A_213 = arith.addi %mul3A_2, %mul3A_212 : i32
      %dma_start3A_214 = arith.constant 1 : i32
      %dma_start3A_215 = arith.constant 0 : i32
      %dma_start3A_216 = arith.constant 0 : i32
      %dma_start3A_217 = tpu.memref_slice %arg6[%dma_start3A_214, %dma_start3A_215, %dma_start3A_216] : memref<2x40x128xf32, #tpu.memory_space<vmem>> -> memref<1x40x128xf32, #tpu.memory_space<vmem>>
      %dma_start3A_218 = tpu.memref_squeeze %dma_start3A_217 : memref<1x40x128xf32, #tpu.memory_space<vmem>> -> memref<40x128xf32, #tpu.memory_space<vmem>>
      %dma_start3A_219 = arith.constant 0 : i32
      %dma_start3A_220 = tpu.memref_slice %arg4[%add3A_213, %dma_start3A_219] : memref<160000x128xf32, #tpu.memory_space<hbm>> -> memref<40x128xf32, #tpu.memory_space<hbm>>
      %dma_start3A_221 = arith.constant 0 : i32
      %dma_start3A_222 = tpu.memref_slice %arg4[%add3A_213, %dma_start3A_221] : memref<160000x128xf32, #tpu.memory_space<hbm>> -> memref<40x128xf32, #tpu.memory_space<hbm>>
      %dma_start3A_223 = arith.constant 0 : i32
      %dma_start3A_224 = arith.constant 0 : i32
      %dma_start3A_225 = tpu.memref_slice %arg6[%dma_start3A_214, %dma_start3A_223, %dma_start3A_224] : memref<2x40x128xf32, #tpu.memory_space<vmem>> -> memref<1x40x128xf32, #tpu.memory_space<vmem>>
      %dma_start3A_226 = tpu.memref_squeeze %dma_start3A_225 : memref<1x40x128xf32, #tpu.memory_space<vmem>> -> memref<40x128xf32, #tpu.memory_space<vmem>>
      tpu.enqueue_dma source(%dma_start3A_226 : memref<40x128xf32, #tpu.memory_space<vmem>>) target(%dma_start3A_222 : memref<40x128xf32, #tpu.memory_space<hbm>>) target_semaphore(%arg11 : memref<!tpu.dma_semaphore, #tpu.memory_space<semaphore_mem>>)
      %mul3A_227 = arith.constant 2 : i32
      %mul3A_228 = arith.muli %mul3A_227, %scan3A_159 : i32
      %mul3A_229 = arith.constant 40 : i32
      %mul3A_230 = arith.muli %mul3A_228, %mul3A_229 : i32
      %add3A_231 = arith.addi %mul3A_2, %mul3A_230 : i32
      %dma_wait3A_232 = arith.constant 0 : i32
      %dma_wait3A_233 = arith.constant 0 : i32
      %dma_wait3A_234 = arith.constant 0 : i32
      %dma_wait3A_235 = tpu.memref_slice %arg6[%dma_wait3A_232, %dma_wait3A_233, %dma_wait3A_234] : memref<2x40x128xf32, #tpu.memory_space<vmem>> -> memref<1x40x128xf32, #tpu.memory_space<vmem>>
      %dma_wait3A_236 = tpu.memref_squeeze %dma_wait3A_235 : memref<1x40x128xf32, #tpu.memory_space<vmem>> -> memref<40x128xf32, #tpu.memory_space<vmem>>
      %dma_wait3A_237 = arith.constant 0 : i32
      %dma_wait3A_238 = tpu.memref_slice %arg4[%add3A_231, %dma_wait3A_237] : memref<160000x128xf32, #tpu.memory_space<hbm>> -> memref<40x128xf32, #tpu.memory_space<hbm>>
      %dma_wait3A_239 = arith.constant 0 : i32
      %dma_wait3A_240 = tpu.memref_slice %arg4[%add3A_231, %dma_wait3A_239] : memref<160000x128xf32, #tpu.memory_space<hbm>> -> memref<40x128xf32, #tpu.memory_space<hbm>>
      %dma_wait3A_241 = arith.constant 0 : i32
      %dma_wait3A_242 = arith.constant 0 : i32
      %dma_wait3A_243 = tpu.memref_slice %arg6[%dma_wait3A_232, %dma_wait3A_241, %dma_wait3A_242] : memref<2x40x128xf32, #tpu.memory_space<vmem>> -> memref<1x40x128xf32, #tpu.memory_space<vmem>>
      %dma_wait3A_244 = tpu.memref_squeeze %dma_wait3A_243 : memref<1x40x128xf32, #tpu.memory_space<vmem>> -> memref<40x128xf32, #tpu.memory_space<vmem>>
      tpu.wait_dma2 semaphore(%arg10 : memref<!tpu.dma_semaphore, #tpu.memory_space<semaphore_mem>>) src(%dma_wait3A_244 : memref<40x128xf32, #tpu.memory_space<vmem>>) dst(%dma_wait3A_240 : memref<40x128xf32, #tpu.memory_space<hbm>>)
      %mul3A_245 = arith.constant 2 : i32
      %mul3A_246 = arith.muli %mul3A_245, %scan3A_159 : i32
      %add3A_247 = arith.constant 2 : i32
      %add3A_248 = arith.addi %mul3A_246, %add3A_247 : i32
      %mul3A_249 = arith.constant 40 : i32
      %mul3A_250 = arith.muli %add3A_248, %mul3A_249 : i32
      %dma_start3A_251 = arith.constant 0 : i32
      %dma_start3A_252 = arith.constant 0 : i32
      %dma_start3A_253 = arith.constant 0 : i32
      %dma_start3A_254 = tpu.memref_slice %arg6[%dma_start3A_251, %dma_start3A_252, %dma_start3A_253] : memref<2x40x128xf32, #tpu.memory_space<vmem>> -> memref<1x40x128xf32, #tpu.memory_space<vmem>>
      %dma_start3A_255 = tpu.memref_squeeze %dma_start3A_254 : memref<1x40x128xf32, #tpu.memory_space<vmem>> -> memref<40x128xf32, #tpu.memory_space<vmem>>
      %dma_start3A_256 = tpu.memref_slice %arg5[%mul3A_250] : memref<5000xi32, #tpu.memory_space<vmem>> -> memref<40xi32, #tpu.memory_space<vmem>>
      %dma_start3A_257 = arith.constant 0 : i32
      %dma_start3A_258 = arith.constant 0 : i32
      %dma_start3A_259 = tpu.memref_slice %arg7[%dma_start3A_257, %dma_start3A_258] : memref<10000x128xf32, #tpu.memory_space<vmem_shared>> -> memref<10000x128xf32, #tpu.memory_space<vmem_shared>>
      tpu.enqueue_indirect_dma source(%dma_start3A_259 : memref<10000x128xf32, #tpu.memory_space<vmem_shared>>) target(%dma_start3A_255 : memref<40x128xf32, #tpu.memory_space<vmem>>) offsets(%dma_start3A_256 : memref<40xi32, #tpu.memory_space<vmem>>) semaphore(%arg8 : memref<!tpu.dma_semaphore, #tpu.memory_space<semaphore_mem>>)
      %mul3A_260 = arith.constant 2 : i32
      %mul3A_261 = arith.muli %mul3A_260, %scan3A_159 : i32
      %add3A_262 = arith.constant 1 : i32
      %add3A_263 = arith.addi %mul3A_261, %add3A_262 : i32
      %mul3A_264 = arith.constant 40 : i32
      %mul3A_265 = arith.muli %add3A_263, %mul3A_264 : i32
      %add3A_266 = arith.addi %mul3A_2, %mul3A_265 : i32
      %dma_wait3A_267 = arith.constant 1 : i32
      %dma_wait3A_268 = arith.constant 0 : i32
      %dma_wait3A_269 = arith.constant 0 : i32
      %dma_wait3A_270 = tpu.memref_slice %arg6[%dma_wait3A_267, %dma_wait3A_268, %dma_wait3A_269] : memref<2x40x128xf32, #tpu.memory_space<vmem>> -> memref<1x40x128xf32, #tpu.memory_space<vmem>>
      %dma_wait3A_271 = tpu.memref_squeeze %dma_wait3A_270 : memref<1x40x128xf32, #tpu.memory_space<vmem>> -> memref<40x128xf32, #tpu.memory_space<vmem>>
      %dma_wait3A_272 = arith.constant 0 : i32
      %dma_wait3A_273 = tpu.memref_slice %arg4[%add3A_266, %dma_wait3A_272] : memref<160000x128xf32, #tpu.memory_space<hbm>> -> memref<40x128xf32, #tpu.memory_space<hbm>>
      %dma_wait3A_274 = arith.constant 0 : i32
      %dma_wait3A_275 = tpu.memref_slice %arg4[%add3A_266, %dma_wait3A_274] : memref<160000x128xf32, #tpu.memory_space<hbm>> -> memref<40x128xf32, #tpu.memory_space<hbm>>
      %dma_wait3A_276 = arith.constant 0 : i32
      %dma_wait3A_277 = arith.constant 0 : i32
      %dma_wait3A_278 = tpu.memref_slice %arg6[%dma_wait3A_267, %dma_wait3A_276, %dma_wait3A_277] : memref<2x40x128xf32, #tpu.memory_space<vmem>> -> memref<1x40x128xf32, #tpu.memory_space<vmem>>
      %dma_wait3A_279 = tpu.memref_squeeze %dma_wait3A_278 : memref<1x40x128xf32, #tpu.memory_space<vmem>> -> memref<40x128xf32, #tpu.memory_space<vmem>>
      tpu.wait_dma2 semaphore(%arg11 : memref<!tpu.dma_semaphore, #tpu.memory_space<semaphore_mem>>) src(%dma_wait3A_279 : memref<40x128xf32, #tpu.memory_space<vmem>>) dst(%dma_wait3A_275 : memref<40x128xf32, #tpu.memory_space<hbm>>)
      %mul3A_280 = arith.constant 2 : i32
      %mul3A_281 = arith.muli %mul3A_280, %scan3A_159 : i32
      %add3A_282 = arith.constant 3 : i32
      %add3A_283 = arith.addi %mul3A_281, %add3A_282 : i32
      %mul3A_284 = arith.constant 40 : i32
      %mul3A_285 = arith.muli %add3A_283, %mul3A_284 : i32
      %dma_start3A_286 = arith.constant 1 : i32
      %dma_start3A_287 = arith.constant 0 : i32
      %dma_start3A_288 = arith.constant 0 : i32
      %dma_start3A_289 = tpu.memref_slice %arg6[%dma_start3A_286, %dma_start3A_287, %dma_start3A_288] : memref<2x40x128xf32, #tpu.memory_space<vmem>> -> memref<1x40x128xf32, #tpu.memory_space<vmem>>
      %dma_start3A_290 = tpu.memref_squeeze %dma_start3A_289 : memref<1x40x128xf32, #tpu.memory_space<vmem>> -> memref<40x128xf32, #tpu.memory_space<vmem>>
      %dma_start3A_291 = tpu.memref_slice %arg5[%mul3A_285] : memref<5000xi32, #tpu.memory_space<vmem>> -> memref<40xi32, #tpu.memory_space<vmem>>
      %dma_start3A_292 = arith.constant 0 : i32
      %dma_start3A_293 = arith.constant 0 : i32
      %dma_start3A_294 = tpu.memref_slice %arg7[%dma_start3A_292, %dma_start3A_293] : memref<10000x128xf32, #tpu.memory_space<vmem_shared>> -> memref<10000x128xf32, #tpu.memory_space<vmem_shared>>
      tpu.enqueue_indirect_dma source(%dma_start3A_294 : memref<10000x128xf32, #tpu.memory_space<vmem_shared>>) target(%dma_start3A_290 : memref<40x128xf32, #tpu.memory_space<vmem>>) offsets(%dma_start3A_291 : memref<40xi32, #tpu.memory_space<vmem>>) semaphore(%arg9 : memref<!tpu.dma_semaphore, #tpu.memory_space<semaphore_mem>>)
      %scan3A_295 = arith.constant 0 : i32
      scf.yield %scan3A_295 : i32
    }
    %scan3A_29 = arith.constant 61 : i32
    %dma_wait3A = arith.constant 0 : i32
    %dma_wait3A_30 = arith.constant 0 : i32
    %dma_wait3A_31 = arith.constant 0 : i32
    %dma_wait3A_32 = tpu.memref_slice %arg6[%dma_wait3A, %dma_wait3A_30, %dma_wait3A_31] : memref<2x40x128xf32, #tpu.memory_space<vmem>> -> memref<1x40x128xf32, #tpu.memory_space<vmem>>
    %dma_wait3A_33 = tpu.memref_squeeze %dma_wait3A_32 : memref<1x40x128xf32, #tpu.memory_space<vmem>> -> memref<40x128xf32, #tpu.memory_space<vmem>>
    %dma_wait3A_34 = arith.constant 4880 : i32
    %dma_wait3A_35 = tpu.memref_slice %arg5[%dma_wait3A_34] : memref<5000xi32, #tpu.memory_space<vmem>> -> memref<40xi32, #tpu.memory_space<vmem>>
    %dma_wait3A_36 = arith.constant 0 : i32
    %dma_wait3A_37 = arith.constant 0 : i32
    %dma_wait3A_38 = tpu.memref_slice %arg7[%dma_wait3A_36, %dma_wait3A_37] : memref<10000x128xf32, #tpu.memory_space<vmem_shared>> -> memref<10000x128xf32, #tpu.memory_space<vmem_shared>>
    tpu.wait_indirect_dma semaphore(%arg8 : memref<!tpu.dma_semaphore, #tpu.memory_space<semaphore_mem>>) src(%dma_wait3A_38 : memref<10000x128xf32, #tpu.memory_space<vmem_shared>>) dst(%dma_wait3A_33 : memref<40x128xf32, #tpu.memory_space<vmem>>)
    %add3A_39 = arith.constant 4880 : i32
    %add3A_40 = arith.addi %mul3A_2, %add3A_39 : i32
    %dma_start3A_41 = arith.constant 0 : i32
    %dma_start3A_42 = arith.constant 0 : i32
    %dma_start3A_43 = arith.constant 0 : i32
    %dma_start3A_44 = tpu.memref_slice %arg6[%dma_start3A_41, %dma_start3A_42, %dma_start3A_43] : memref<2x40x128xf32, #tpu.memory_space<vmem>> -> memref<1x40x128xf32, #tpu.memory_space<vmem>>
    %dma_start3A_45 = tpu.memref_squeeze %dma_start3A_44 : memref<1x40x128xf32, #tpu.memory_space<vmem>> -> memref<40x128xf32, #tpu.memory_space<vmem>>
    %dma_start3A_46 = arith.constant 0 : i32
    %dma_start3A_47 = tpu.memref_slice %arg4[%add3A_40, %dma_start3A_46] : memref<160000x128xf32, #tpu.memory_space<hbm>> -> memref<40x128xf32, #tpu.memory_space<hbm>>
    %dma_start3A_48 = arith.constant 0 : i32
    %dma_start3A_49 = tpu.memref_slice %arg4[%add3A_40, %dma_start3A_48] : memref<160000x128xf32, #tpu.memory_space<hbm>> -> memref<40x128xf32, #tpu.memory_space<hbm>>
    %dma_start3A_50 = arith.constant 0 : i32
    %dma_start3A_51 = arith.constant 0 : i32
    %dma_start3A_52 = tpu.memref_slice %arg6[%dma_start3A_41, %dma_start3A_50, %dma_start3A_51] : memref<2x40x128xf32, #tpu.memory_space<vmem>> -> memref<1x40x128xf32, #tpu.memory_space<vmem>>
    %dma_start3A_53 = tpu.memref_squeeze %dma_start3A_52 : memref<1x40x128xf32, #tpu.memory_space<vmem>> -> memref<40x128xf32, #tpu.memory_space<vmem>>
    tpu.enqueue_dma source(%dma_start3A_53 : memref<40x128xf32, #tpu.memory_space<vmem>>) target(%dma_start3A_49 : memref<40x128xf32, #tpu.memory_space<hbm>>) target_semaphore(%arg10 : memref<!tpu.dma_semaphore, #tpu.memory_space<semaphore_mem>>)
    %dma_wait3A_54 = arith.constant 1 : i32
    %dma_wait3A_55 = arith.constant 0 : i32
    %dma_wait3A_56 = arith.constant 0 : i32
    %dma_wait3A_57 = tpu.memref_slice %arg6[%dma_wait3A_54, %dma_wait3A_55, %dma_wait3A_56] : memref<2x40x128xf32, #tpu.memory_space<vmem>> -> memref<1x40x128xf32, #tpu.memory_space<vmem>>
    %dma_wait3A_58 = tpu.memref_squeeze %dma_wait3A_57 : memref<1x40x128xf32, #tpu.memory_space<vmem>> -> memref<40x128xf32, #tpu.memory_space<vmem>>
    %dma_wait3A_59 = arith.constant 4920 : i32
    %dma_wait3A_60 = tpu.memref_slice %arg5[%dma_wait3A_59] : memref<5000xi32, #tpu.memory_space<vmem>> -> memref<40xi32, #tpu.memory_space<vmem>>
    %dma_wait3A_61 = arith.constant 0 : i32
    %dma_wait3A_62 = arith.constant 0 : i32
    %dma_wait3A_63 = tpu.memref_slice %arg7[%dma_wait3A_61, %dma_wait3A_62] : memref<10000x128xf32, #tpu.memory_space<vmem_shared>> -> memref<10000x128xf32, #tpu.memory_space<vmem_shared>>
    tpu.wait_indirect_dma semaphore(%arg9 : memref<!tpu.dma_semaphore, #tpu.memory_space<semaphore_mem>>) src(%dma_wait3A_63 : memref<10000x128xf32, #tpu.memory_space<vmem_shared>>) dst(%dma_wait3A_58 : memref<40x128xf32, #tpu.memory_space<vmem>>)
    %add3A_64 = arith.constant 4920 : i32
    %add3A_65 = arith.addi %mul3A_2, %add3A_64 : i32
    %dma_start3A_66 = arith.constant 1 : i32
    %dma_start3A_67 = arith.constant 0 : i32
    %dma_start3A_68 = arith.constant 0 : i32
    %dma_start3A_69 = tpu.memref_slice %arg6[%dma_start3A_66, %dma_start3A_67, %dma_start3A_68] : memref<2x40x128xf32, #tpu.memory_space<vmem>> -> memref<1x40x128xf32, #tpu.memory_space<vmem>>
    %dma_start3A_70 = tpu.memref_squeeze %dma_start3A_69 : memref<1x40x128xf32, #tpu.memory_space<vmem>> -> memref<40x128xf32, #tpu.memory_space<vmem>>
    %dma_start3A_71 = arith.constant 0 : i32
    %dma_start3A_72 = tpu.memref_slice %arg4[%add3A_65, %dma_start3A_71] : memref<160000x128xf32, #tpu.memory_space<hbm>> -> memref<40x128xf32, #tpu.memory_space<hbm>>
    %dma_start3A_73 = arith.constant 0 : i32
    %dma_start3A_74 = tpu.memref_slice %arg4[%add3A_65, %dma_start3A_73] : memref<160000x128xf32, #tpu.memory_space<hbm>> -> memref<40x128xf32, #tpu.memory_space<hbm>>
    %dma_start3A_75 = arith.constant 0 : i32
    %dma_start3A_76 = arith.constant 0 : i32
    %dma_start3A_77 = tpu.memref_slice %arg6[%dma_start3A_66, %dma_start3A_75, %dma_start3A_76] : memref<2x40x128xf32, #tpu.memory_space<vmem>> -> memref<1x40x128xf32, #tpu.memory_space<vmem>>
    %dma_start3A_78 = tpu.memref_squeeze %dma_start3A_77 : memref<1x40x128xf32, #tpu.memory_space<vmem>> -> memref<40x128xf32, #tpu.memory_space<vmem>>
    tpu.enqueue_dma source(%dma_start3A_78 : memref<40x128xf32, #tpu.memory_space<vmem>>) target(%dma_start3A_74 : memref<40x128xf32, #tpu.memory_space<hbm>>) target_semaphore(%arg11 : memref<!tpu.dma_semaphore, #tpu.memory_space<semaphore_mem>>)
    %add3A_79 = arith.constant 4880 : i32
    %add3A_80 = arith.addi %mul3A_2, %add3A_79 : i32
    %dma_wait3A_81 = arith.constant 0 : i32
    %dma_wait3A_82 = arith.constant 0 : i32
    %dma_wait3A_83 = arith.constant 0 : i32
    %dma_wait3A_84 = tpu.memref_slice %arg6[%dma_wait3A_81, %dma_wait3A_82, %dma_wait3A_83] : memref<2x40x128xf32, #tpu.memory_space<vmem>> -> memref<1x40x128xf32, #tpu.memory_space<vmem>>
    %dma_wait3A_85 = tpu.memref_squeeze %dma_wait3A_84 : memref<1x40x128xf32, #tpu.memory_space<vmem>> -> memref<40x128xf32, #tpu.memory_space<vmem>>
    %dma_wait3A_86 = arith.constant 0 : i32
    %dma_wait3A_87 = tpu.memref_slice %arg4[%add3A_80, %dma_wait3A_86] : memref<160000x128xf32, #tpu.memory_space<hbm>> -> memref<40x128xf32, #tpu.memory_space<hbm>>
    %dma_wait3A_88 = arith.constant 0 : i32
    %dma_wait3A_89 = tpu.memref_slice %arg4[%add3A_80, %dma_wait3A_88] : memref<160000x128xf32, #tpu.memory_space<hbm>> -> memref<40x128xf32, #tpu.memory_space<hbm>>
    %dma_wait3A_90 = arith.constant 0 : i32
    %dma_wait3A_91 = arith.constant 0 : i32
    %dma_wait3A_92 = tpu.memref_slice %arg6[%dma_wait3A_81, %dma_wait3A_90, %dma_wait3A_91] : memref<2x40x128xf32, #tpu.memory_space<vmem>> -> memref<1x40x128xf32, #tpu.memory_space<vmem>>
    %dma_wait3A_93 = tpu.memref_squeeze %dma_wait3A_92 : memref<1x40x128xf32, #tpu.memory_space<vmem>> -> memref<40x128xf32, #tpu.memory_space<vmem>>
    tpu.wait_dma2 semaphore(%arg10 : memref<!tpu.dma_semaphore, #tpu.memory_space<semaphore_mem>>) src(%dma_wait3A_93 : memref<40x128xf32, #tpu.memory_space<vmem>>) dst(%dma_wait3A_89 : memref<40x128xf32, #tpu.memory_space<hbm>>)
    %dma_start3A_94 = arith.constant 0 : i32
    %dma_start3A_95 = arith.constant 0 : i32
    %dma_start3A_96 = arith.constant 0 : i32
    %dma_start3A_97 = tpu.memref_slice %arg6[%dma_start3A_94, %dma_start3A_95, %dma_start3A_96] : memref<2x40x128xf32, #tpu.memory_space<vmem>> -> memref<1x40x128xf32, #tpu.memory_space<vmem>>
    %dma_start3A_98 = tpu.memref_squeeze %dma_start3A_97 : memref<1x40x128xf32, #tpu.memory_space<vmem>> -> memref<40x128xf32, #tpu.memory_space<vmem>>
    %dma_start3A_99 = arith.constant 4960 : i32
    %dma_start3A_100 = tpu.memref_slice %arg5[%dma_start3A_99] : memref<5000xi32, #tpu.memory_space<vmem>> -> memref<40xi32, #tpu.memory_space<vmem>>
    %dma_start3A_101 = arith.constant 0 : i32
    %dma_start3A_102 = arith.constant 0 : i32
    %dma_start3A_103 = tpu.memref_slice %arg7[%dma_start3A_101, %dma_start3A_102] : memref<10000x128xf32, #tpu.memory_space<vmem_shared>> -> memref<10000x128xf32, #tpu.memory_space<vmem_shared>>
    tpu.enqueue_indirect_dma source(%dma_start3A_103 : memref<10000x128xf32, #tpu.memory_space<vmem_shared>>) target(%dma_start3A_98 : memref<40x128xf32, #tpu.memory_space<vmem>>) offsets(%dma_start3A_100 : memref<40xi32, #tpu.memory_space<vmem>>) semaphore(%arg8 : memref<!tpu.dma_semaphore, #tpu.memory_space<semaphore_mem>>)
    %add3A_104 = arith.constant 4920 : i32
    %add3A_105 = arith.addi %mul3A_2, %add3A_104 : i32
    %dma_wait3A_106 = arith.constant 1 : i32
    %dma_wait3A_107 = arith.constant 0 : i32
    %dma_wait3A_108 = arith.constant 0 : i32
    %dma_wait3A_109 = tpu.memref_slice %arg6[%dma_wait3A_106, %dma_wait3A_107, %dma_wait3A_108] : memref<2x40x128xf32, #tpu.memory_space<vmem>> -> memref<1x40x128xf32, #tpu.memory_space<vmem>>
    %dma_wait3A_110 = tpu.memref_squeeze %dma_wait3A_109 : memref<1x40x128xf32, #tpu.memory_space<vmem>> -> memref<40x128xf32, #tpu.memory_space<vmem>>
    %dma_wait3A_111 = arith.constant 0 : i32
    %dma_wait3A_112 = tpu.memref_slice %arg4[%add3A_105, %dma_wait3A_111] : memref<160000x128xf32, #tpu.memory_space<hbm>> -> memref<40x128xf32, #tpu.memory_space<hbm>>
    %dma_wait3A_113 = arith.constant 0 : i32
    %dma_wait3A_114 = tpu.memref_slice %arg4[%add3A_105, %dma_wait3A_113] : memref<160000x128xf32, #tpu.memory_space<hbm>> -> memref<40x128xf32, #tpu.memory_space<hbm>>
    %dma_wait3A_115 = arith.constant 0 : i32
    %dma_wait3A_116 = arith.constant 0 : i32
    %dma_wait3A_117 = tpu.memref_slice %arg6[%dma_wait3A_106, %dma_wait3A_115, %dma_wait3A_116] : memref<2x40x128xf32, #tpu.memory_space<vmem>> -> memref<1x40x128xf32, #tpu.memory_space<vmem>>
    %dma_wait3A_118 = tpu.memref_squeeze %dma_wait3A_117 : memref<1x40x128xf32, #tpu.memory_space<vmem>> -> memref<40x128xf32, #tpu.memory_space<vmem>>
    tpu.wait_dma2 semaphore(%arg11 : memref<!tpu.dma_semaphore, #tpu.memory_space<semaphore_mem>>) src(%dma_wait3A_118 : memref<40x128xf32, #tpu.memory_space<vmem>>) dst(%dma_wait3A_114 : memref<40x128xf32, #tpu.memory_space<hbm>>)
    %dma_wait3A_119 = arith.constant 0 : i32
    %dma_wait3A_120 = arith.constant 0 : i32
    %dma_wait3A_121 = arith.constant 0 : i32
    %dma_wait3A_122 = tpu.memref_slice %arg6[%dma_wait3A_119, %dma_wait3A_120, %dma_wait3A_121] : memref<2x40x128xf32, #tpu.memory_space<vmem>> -> memref<1x40x128xf32, #tpu.memory_space<vmem>>
    %dma_wait3A_123 = tpu.memref_squeeze %dma_wait3A_122 : memref<1x40x128xf32, #tpu.memory_space<vmem>> -> memref<40x128xf32, #tpu.memory_space<vmem>>
    %dma_wait3A_124 = arith.constant 4960 : i32
    %dma_wait3A_125 = tpu.memref_slice %arg5[%dma_wait3A_124] : memref<5000xi32, #tpu.memory_space<vmem>> -> memref<40xi32, #tpu.memory_space<vmem>>
    %dma_wait3A_126 = arith.constant 0 : i32
    %dma_wait3A_127 = arith.constant 0 : i32
    %dma_wait3A_128 = tpu.memref_slice %arg7[%dma_wait3A_126, %dma_wait3A_127] : memref<10000x128xf32, #tpu.memory_space<vmem_shared>> -> memref<10000x128xf32, #tpu.memory_space<vmem_shared>>
    tpu.wait_indirect_dma semaphore(%arg8 : memref<!tpu.dma_semaphore, #tpu.memory_space<semaphore_mem>>) src(%dma_wait3A_128 : memref<10000x128xf32, #tpu.memory_space<vmem_shared>>) dst(%dma_wait3A_123 : memref<40x128xf32, #tpu.memory_space<vmem>>)
    %add3A_129 = arith.constant 4960 : i32
    %add3A_130 = arith.addi %mul3A_2, %add3A_129 : i32
    %dma_start3A_131 = arith.constant 0 : i32
    %dma_start3A_132 = arith.constant 0 : i32
    %dma_start3A_133 = arith.constant 0 : i32
    %dma_start3A_134 = tpu.memref_slice %arg6[%dma_start3A_131, %dma_start3A_132, %dma_start3A_133] : memref<2x40x128xf32, #tpu.memory_space<vmem>> -> memref<1x40x128xf32, #tpu.memory_space<vmem>>
    %dma_start3A_135 = tpu.memref_squeeze %dma_start3A_134 : memref<1x40x128xf32, #tpu.memory_space<vmem>> -> memref<40x128xf32, #tpu.memory_space<vmem>>
    %dma_start3A_136 = arith.constant 0 : i32
    %dma_start3A_137 = tpu.memref_slice %arg4[%add3A_130, %dma_start3A_136] : memref<160000x128xf32, #tpu.memory_space<hbm>> -> memref<40x128xf32, #tpu.memory_space<hbm>>
    %dma_start3A_138 = arith.constant 0 : i32
    %dma_start3A_139 = tpu.memref_slice %arg4[%add3A_130, %dma_start3A_138] : memref<160000x128xf32, #tpu.memory_space<hbm>> -> memref<40x128xf32, #tpu.memory_space<hbm>>
    %dma_start3A_140 = arith.constant 0 : i32
    %dma_start3A_141 = arith.constant 0 : i32
    %dma_start3A_142 = tpu.memref_slice %arg6[%dma_start3A_131, %dma_start3A_140, %dma_start3A_141] : memref<2x40x128xf32, #tpu.memory_space<vmem>> -> memref<1x40x128xf32, #tpu.memory_space<vmem>>
    %dma_start3A_143 = tpu.memref_squeeze %dma_start3A_142 : memref<1x40x128xf32, #tpu.memory_space<vmem>> -> memref<40x128xf32, #tpu.memory_space<vmem>>
    tpu.enqueue_dma source(%dma_start3A_143 : memref<40x128xf32, #tpu.memory_space<vmem>>) target(%dma_start3A_139 : memref<40x128xf32, #tpu.memory_space<hbm>>) target_semaphore(%arg10 : memref<!tpu.dma_semaphore, #tpu.memory_space<semaphore_mem>>)
    %add3A_144 = arith.constant 4960 : i32
    %add3A_145 = arith.addi %mul3A_2, %add3A_144 : i32
    %dma_wait3A_146 = arith.constant 0 : i32
    %dma_wait3A_147 = arith.constant 0 : i32
    %dma_wait3A_148 = arith.constant 0 : i32
    %dma_wait3A_149 = tpu.memref_slice %arg6[%dma_wait3A_146, %dma_wait3A_147, %dma_wait3A_148] : memref<2x40x128xf32, #tpu.memory_space<vmem>> -> memref<1x40x128xf32, #tpu.memory_space<vmem>>
    %dma_wait3A_150 = tpu.memref_squeeze %dma_wait3A_149 : memref<1x40x128xf32, #tpu.memory_space<vmem>> -> memref<40x128xf32, #tpu.memory_space<vmem>>
    %dma_wait3A_151 = arith.constant 0 : i32
    %dma_wait3A_152 = tpu.memref_slice %arg4[%add3A_145, %dma_wait3A_151] : memref<160000x128xf32, #tpu.memory_space<hbm>> -> memref<40x128xf32, #tpu.memory_space<hbm>>
    %dma_wait3A_153 = arith.constant 0 : i32
    %dma_wait3A_154 = tpu.memref_slice %arg4[%add3A_145, %dma_wait3A_153] : memref<160000x128xf32, #tpu.memory_space<hbm>> -> memref<40x128xf32, #tpu.memory_space<hbm>>
    %dma_wait3A_155 = arith.constant 0 : i32
    %dma_wait3A_156 = arith.constant 0 : i32
    %dma_wait3A_157 = tpu.memref_slice %arg6[%dma_wait3A_146, %dma_wait3A_155, %dma_wait3A_156] : memref<2x40x128xf32, #tpu.memory_space<vmem>> -> memref<1x40x128xf32, #tpu.memory_space<vmem>>
    %dma_wait3A_158 = tpu.memref_squeeze %dma_wait3A_157 : memref<1x40x128xf32, #tpu.memory_space<vmem>> -> memref<40x128xf32, #tpu.memory_space<vmem>>
    tpu.wait_dma2 semaphore(%arg10 : memref<!tpu.dma_semaphore, #tpu.memory_space<semaphore_mem>>) src(%dma_wait3A_158 : memref<40x128xf32, #tpu.memory_space<vmem>>) dst(%dma_wait3A_154 : memref<40x128xf32, #tpu.memory_space<hbm>>)
    return
  }
}

#map = affine_map<(d0, d1) -> (0, 0)>
#map1 = affine_map<(d0, d1) -> (0)>
module attributes {stable_mosaic.version = 14 : i64} {
  func.func @_sc_gather(%arg0: i32, %arg1: i32, %arg2: memref<10000x128xf32, #tpu.memory_space<hbm>>, %arg3: memref<160000xi32, #tpu.memory_space<hbm>>, %arg4: memref<160000x128xf32, #tpu.memory_space<hbm>>, %arg5: memref<5000xi32, #tpu.memory_space<vmem>>, %arg6: memref<2x40x128xf32, #tpu.memory_space<vmem>>, %arg7: memref<10000x128xf32, #tpu.memory_space<vmem_shared>>, %arg8: memref<!tpu.dma_semaphore, #tpu.memory_space<semaphore_mem>>, %arg9: memref<!tpu.dma_semaphore, #tpu.memory_space<semaphore_mem>>, %arg10: memref<!tpu.dma_semaphore, #tpu.memory_space<semaphore_mem>>, %arg11: memref<!tpu.dma_semaphore, #tpu.memory_space<semaphore_mem>>) attributes {dimension_semantics = [#tpu.dimension_semantics<core_parallel>, #tpu.dimension_semantics<subcore_parallel>], iteration_bounds = array<i64: 2, 16>, scalar_prefetch = 0 : i64, scratch_operands = 7 : i64, tpu.core_type = #tpu.core_type<sc_vector_subcore>, window_params = [{transform_indices = #map}, {transform_indices = #map1}, {transform_indices = #map}]} {
    %mul3A = arith.constant 2 : i32
    %mul3A_0 = arith.muli %arg1, %mul3A : i32
    %add3A = arith.addi %mul3A_0, %arg0 : i32
    %mul3A_1 = arith.constant 5000 : i32
    %mul3A_2 = arith.muli %add3A, %mul3A_1 : i32
    %eq3A = arith.constant 0 : i32
    %eq3A_3 = arith.cmpi eq, %arg1, %eq3A : i32
    %convert_element_type3A = arith.extui %eq3A_3 : i1 to i32
    %cond3A = arith.constant 0 : i32
    %cond3A_4 = arith.cmpi ne, %convert_element_type3A, %cond3A : i32
    scf.if %cond3A_4 {
      "tpu.region"() ({
        %run_scoped3A = tpu.sem_alloc : memref<!tpu.dma_semaphore, #tpu.memory_space<semaphore_mem>>
        tpu.enqueue_dma source(%arg2 : memref<10000x128xf32, #tpu.memory_space<hbm>>) target(%arg7 : memref<10000x128xf32, #tpu.memory_space<vmem_shared>>) target_semaphore(%run_scoped3A : memref<!tpu.dma_semaphore, #tpu.memory_space<semaphore_mem>>)
        tpu.wait_dma2 semaphore(%run_scoped3A : memref<!tpu.dma_semaphore, #tpu.memory_space<semaphore_mem>>) src(%arg2 : memref<10000x128xf32, #tpu.memory_space<hbm>>) dst(%arg7 : memref<10000x128xf32, #tpu.memory_space<vmem_shared>>)
        tpu.yield
      }) : () -> ()
    } else {
    }
    "tpu.region"() ({
      %run_scoped3A = tpu.sem_alloc : memref<!tpu.dma_semaphore, #tpu.memory_space<semaphore_mem>>
      %dma_start3A_159 = tpu.memref_slice %arg3[%mul3A_2] : memref<160000xi32, #tpu.memory_space<hbm>> -> memref<5000xi32, #tpu.memory_space<hbm>>
      %dma_start3A_160 = tpu.memref_slice %arg3[%mul3A_2] : memref<160000xi32, #tpu.memory_space<hbm>> -> memref<5000xi32, #tpu.memory_space<hbm>>
      tpu.enqueue_dma source(%dma_start3A_160 : memref<5000xi32, #tpu.memory_space<hbm>>) target(%arg5 : memref<5000xi32, #tpu.memory_space<vmem>>) target_semaphore(%run_scoped3A : memref<!tpu.dma_semaphore, #tpu.memory_space<semaphore_mem>>)
      %dma_wait3A_161 = tpu.memref_slice %arg3[%mul3A_2] : memref<160000xi32, #tpu.memory_space<hbm>> -> memref<5000xi32, #tpu.memory_space<hbm>>
      %dma_wait3A_162 = tpu.memref_slice %arg3[%mul3A_2] : memref<160000xi32, #tpu.memory_space<hbm>> -> memref<5000xi32, #tpu.memory_space<hbm>>
      tpu.wait_dma2 semaphore(%run_scoped3A : memref<!tpu.dma_semaphore, #tpu.memory_space<semaphore_mem>>) src(%dma_wait3A_162 : memref<5000xi32, #tpu.memory_space<hbm>>) dst(%arg5 : memref<5000xi32, #tpu.memory_space<vmem>>)
      tpu.yield
    }) : () -> ()
    %barrier3A = arith.constant 0 : index
    tpu.barrier barrier_id(%barrier3A)
    %dma_start3A = arith.constant 0 : i32
    %dma_start3A_5 = arith.constant 0 : i32
    %dma_start3A_6 = arith.constant 0 : i32
    %dma_start3A_7 = tpu.memref_slice %arg6[%dma_start3A, %dma_start3A_5, %dma_start3A_6] : memref<2x40x128xf32, #tpu.memory_space<vmem>> -> memref<1x40x128xf32, #tpu.memory_space<vmem>>
    %dma_start3A_8 = tpu.memref_squeeze %dma_start3A_7 : memref<1x40x128xf32, #tpu.memory_space<vmem>> -> memref<40x128xf32, #tpu.memory_space<vmem>>
    %dma_start3A_9 = arith.constant 0 : i32
    %dma_start3A_10 = tpu.memref_slice %arg5[%dma_start3A_9] : memref<5000xi32, #tpu.memory_space<vmem>> -> memref<40xi32, #tpu.memory_space<vmem>>
    %dma_start3A_11 = arith.constant 0 : i32
    %dma_start3A_12 = arith.constant 0 : i32
    %dma_start3A_13 = tpu.memref_slice %arg7[%dma_start3A_11, %dma_start3A_12] : memref<10000x128xf32, #tpu.memory_space<vmem_shared>> -> memref<10000x128xf32, #tpu.memory_space<vmem_shared>>
    tpu.enqueue_indirect_dma source(%dma_start3A_13 : memref<10000x128xf32, #tpu.memory_space<vmem_shared>>) target(%dma_start3A_8 : memref<40x128xf32, #tpu.memory_space<vmem>>) offsets(%dma_start3A_10 : memref<40xi32, #tpu.memory_space<vmem>>) semaphore(%arg8 : memref<!tpu.dma_semaphore, #tpu.memory_space<semaphore_mem>>)
    %dma_start3A_14 = arith.constant 1 : i32
    %dma_start3A_15 = arith.constant 0 : i32
    %dma_start3A_16 = arith.constant 0 : i32
    %dma_start3A_17 = tpu.memref_slice %arg6[%dma_start3A_14, %dma_start3A_15, %dma_start3A_16] : memref<2x40x128xf32, #tpu.memory_space<vmem>> -> memref<1x40x128xf32, #tpu.memory_space<vmem>>
    %dma_start3A_18 = tpu.memref_squeeze %dma_start3A_17 : memref<1x40x128xf32, #tpu.memory_space<vmem>> -> memref<40x128xf32, #tpu.memory_space<vmem>>
    %dma_start3A_19 = arith.constant 40 : i32
    %dma_start3A_20 = tpu.memref_slice %arg5[%dma_start3A_19] : memref<5000xi32, #tpu.memory_space<vmem>> -> memref<40xi32, #tpu.memory_space<vmem>>
    %dma_start3A_21 = arith.constant 0 : i32
    %dma_start3A_22 = arith.constant 0 : i32
    %dma_start3A_23 = tpu.memref_slice %arg7[%dma_start3A_21, %dma_start3A_22] : memref<10000x128xf32, #tpu.memory_space<vmem_shared>> -> memref<10000x128xf32, #tpu.memory_space<vmem_shared>>
    tpu.enqueue_indirect_dma source(%dma_start3A_23 : memref<10000x128xf32, #tpu.memory_space<vmem_shared>>) target(%dma_start3A_18 : memref<40x128xf32, #tpu.memory_space<vmem>>) offsets(%dma_start3A_20 : memref<40xi32, #tpu.memory_space<vmem>>) semaphore(%arg9 : memref<!tpu.dma_semaphore, #tpu.memory_space<semaphore_mem>>)
    %scan3A = arith.constant 0 : i32
    %scan3A_24 = arith.constant 0 : i32
    %scan3A_25 = arith.constant 61 : i32
    %scan3A_26 = arith.addi %scan3A_24, %scan3A_25 : i32
    %scan3A_27 = arith.constant 1 : i32
    %scan3A_28 = scf.for %scan3A_159 = %scan3A_24 to %scan3A_26 step %scan3A_27 iter_args(%scan3A_160 = %scan3A) -> (i32)  : i32 {
      %mul3A_161 = arith.constant 2 : i32
      %mul3A_162 = arith.muli %mul3A_161, %scan3A_159 : i32
      %mul3A_163 = arith.constant 40 : i32
      %mul3A_164 = arith.muli %mul3A_162, %mul3A_163 : i32
      %dma_wait3A_165 = arith.constant 0 : i32
      %dma_wait3A_166 = arith.constant 0 : i32
      %dma_wait3A_167 = arith.constant 0 : i32
      %dma_wait3A_168 = tpu.memref_slice %arg6[%dma_wait3A_165, %dma_wait3A_166, %dma_wait3A_167] : memref<2x40x128xf32, #tpu.memory_space<vmem>> -> memref<1x40x128xf32, #tpu.memory_space<vmem>>
      %dma_wait3A_169 = tpu.memref_squeeze %dma_wait3A_168 : memref<1x40x128xf32, #tpu.memory_space<vmem>> -> memref<40x128xf32, #tpu.memory_space<vmem>>
      %dma_wait3A_170 = tpu.memref_slice %arg5[%mul3A_164] : memref<5000xi32, #tpu.memory_space<vmem>> -> memref<40xi32, #tpu.memory_space<vmem>>
      %dma_wait3A_171 = arith.constant 0 : i32
      %dma_wait3A_172 = arith.constant 0 : i32
      %dma_wait3A_173 = tpu.memref_slice %arg7[%dma_wait3A_171, %dma_wait3A_172] : memref<10000x128xf32, #tpu.memory_space<vmem_shared>> -> memref<10000x128xf32, #tpu.memory_space<vmem_shared>>
      tpu.wait_indirect_dma semaphore(%arg8 : memref<!tpu.dma_semaphore, #tpu.memory_space<semaphore_mem>>) src(%dma_wait3A_173 : memref<10000x128xf32, #tpu.memory_space<vmem_shared>>) dst(%dma_wait3A_169 : memref<40x128xf32, #tpu.memory_space<vmem>>)
      %mul3A_174 = arith.constant 2 : i32
      %mul3A_175 = arith.muli %mul3A_174, %scan3A_159 : i32
      %mul3A_176 = arith.constant 40 : i32
      %mul3A_177 = arith.muli %mul3A_175, %mul3A_176 : i32
      %add3A_178 = arith.addi %mul3A_2, %mul3A_177 : i32
      %dma_start3A_179 = arith.constant 0 : i32
      %dma_start3A_180 = arith.constant 0 : i32
      %dma_start3A_181 = arith.constant 0 : i32
      %dma_start3A_182 = tpu.memref_slice %arg6[%dma_start3A_179, %dma_start3A_180, %dma_start3A_181] : memref<2x40x128xf32, #tpu.memory_space<vmem>> -> memref<1x40x128xf32, #tpu.memory_space<vmem>>
      %dma_start3A_183 = tpu.memref_squeeze %dma_start3A_182 : memref<1x40x128xf32, #tpu.memory_space<vmem>> -> memref<40x128xf32, #tpu.memory_space<vmem>>
      %dma_start3A_184 = arith.constant 0 : i32
      %dma_start3A_185 = tpu.memref_slice %arg4[%add3A_178, %dma_start3A_184] : memref<160000x128xf32, #tpu.memory_space<hbm>> -> memref<40x128xf32, #tpu.memory_space<hbm>>
      %dma_start3A_186 = arith.constant 0 : i32
      %dma_start3A_187 = tpu.memref_slice %arg4[%add3A_178, %dma_start3A_186] : memref<160000x128xf32, #tpu.memory_space<hbm>> -> memref<40x128xf32, #tpu.memory_space<hbm>>
      %dma_start3A_188 = arith.constant 0 : i32
      %dma_start3A_189 = arith.constant 0 : i32
      %dma_start3A_190 = tpu.memref_slice %arg6[%dma_start3A_179, %dma_start3A_188, %dma_start3A_189] : memref<2x40x128xf32, #tpu.memory_space<vmem>> -> memref<1x40x128xf32, #tpu.memory_space<vmem>>
      %dma_start3A_191 = tpu.memref_squeeze %dma_start3A_190 : memref<1x40x128xf32, #tpu.memory_space<vmem>> -> memref<40x128xf32, #tpu.memory_space<vmem>>
      tpu.enqueue_dma source(%dma_start3A_191 : memref<40x128xf32, #tpu.memory_space<vmem>>) target(%dma_start3A_187 : memref<40x128xf32, #tpu.memory_space<hbm>>) target_semaphore(%arg10 : memref<!tpu.dma_semaphore, #tpu.memory_space<semaphore_mem>>)
      %mul3A_192 = arith.constant 2 : i32
      %mul3A_193 = arith.muli %mul3A_192, %scan3A_159 : i32
      %add3A_194 = arith.constant 1 : i32
      %add3A_195 = arith.addi %mul3A_193, %add3A_194 : i32
      %mul3A_196 = arith.constant 40 : i32
      %mul3A_197 = arith.muli %add3A_195, %mul3A_196 : i32
      %dma_wait3A_198 = arith.constant 1 : i32
      %dma_wait3A_199 = arith.constant 0 : i32
      %dma_wait3A_200 = arith.constant 0 : i32
      %dma_wait3A_201 = tpu.memref_slice %arg6[%dma_wait3A_198, %dma_wait3A_199, %dma_wait3A_200] : memref<2x40x128xf32, #tpu.memory_space<vmem>> -> memref<1x40x128xf32, #tpu.memory_space<vmem>>
      %dma_wait3A_202 = tpu.memref_squeeze %dma_wait3A_201 : memref<1x40x128xf32, #tpu.memory_space<vmem>> -> memref<40x128xf32, #tpu.memory_space<vmem>>
      %dma_wait3A_203 = tpu.memref_slice %arg5[%mul3A_197] : memref<5000xi32, #tpu.memory_space<vmem>> -> memref<40xi32, #tpu.memory_space<vmem>>
      %dma_wait3A_204 = arith.constant 0 : i32
      %dma_wait3A_205 = arith.constant 0 : i32
      %dma_wait3A_206 = tpu.memref_slice %arg7[%dma_wait3A_204, %dma_wait3A_205] : memref<10000x128xf32, #tpu.memory_space<vmem_shared>> -> memref<10000x128xf32, #tpu.memory_space<vmem_shared>>
      tpu.wait_indirect_dma semaphore(%arg9 : memref<!tpu.dma_semaphore, #tpu.memory_space<semaphore_mem>>) src(%dma_wait3A_206 : memref<10000x128xf32, #tpu.memory_space<vmem_shared>>) dst(%dma_wait3A_202 : memref<40x128xf32, #tpu.memory_space<vmem>>)
      %mul3A_207 = arith.constant 2 : i32
      %mul3A_208 = arith.muli %mul3A_207, %scan3A_159 : i32
      %add3A_209 = arith.constant 1 : i32
      %add3A_210 = arith.addi %mul3A_208, %add3A_209 : i32
      %mul3A_211 = arith.constant 40 : i32
      %mul3A_212 = arith.muli %add3A_210, %mul3A_211 : i32
      %add3A_213 = arith.addi %mul3A_2, %mul3A_212 : i32
      %dma_start3A_214 = arith.constant 1 : i32
      %dma_start3A_215 = arith.constant 0 : i32
      %dma_start3A_216 = arith.constant 0 : i32
      %dma_start3A_217 = tpu.memref_slice %arg6[%dma_start3A_214, %dma_start3A_215, %dma_start3A_216] : memref<2x40x128xf32, #tpu.memory_space<vmem>> -> memref<1x40x128xf32, #tpu.memory_space<vmem>>
      %dma_start3A_218 = tpu.memref_squeeze %dma_start3A_217 : memref<1x40x128xf32, #tpu.memory_space<vmem>> -> memref<40x128xf32, #tpu.memory_space<vmem>>
      %dma_start3A_219 = arith.constant 0 : i32
      %dma_start3A_220 = tpu.memref_slice %arg4[%add3A_213, %dma_start3A_219] : memref<160000x128xf32, #tpu.memory_space<hbm>> -> memref<40x128xf32, #tpu.memory_space<hbm>>
      %dma_start3A_221 = arith.constant 0 : i32
      %dma_start3A_222 = tpu.memref_slice %arg4[%add3A_213, %dma_start3A_221] : memref<160000x128xf32, #tpu.memory_space<hbm>> -> memref<40x128xf32, #tpu.memory_space<hbm>>
      %dma_start3A_223 = arith.constant 0 : i32
      %dma_start3A_224 = arith.constant 0 : i32
      %dma_start3A_225 = tpu.memref_slice %arg6[%dma_start3A_214, %dma_start3A_223, %dma_start3A_224] : memref<2x40x128xf32, #tpu.memory_space<vmem>> -> memref<1x40x128xf32, #tpu.memory_space<vmem>>
      %dma_start3A_226 = tpu.memref_squeeze %dma_start3A_225 : memref<1x40x128xf32, #tpu.memory_space<vmem>> -> memref<40x128xf32, #tpu.memory_space<vmem>>
      tpu.enqueue_dma source(%dma_start3A_226 : memref<40x128xf32, #tpu.memory_space<vmem>>) target(%dma_start3A_222 : memref<40x128xf32, #tpu.memory_space<hbm>>) target_semaphore(%arg11 : memref<!tpu.dma_semaphore, #tpu.memory_space<semaphore_mem>>)
      %mul3A_227 = arith.constant 2 : i32
      %mul3A_228 = arith.muli %mul3A_227, %scan3A_159 : i32
      %mul3A_229 = arith.constant 40 : i32
      %mul3A_230 = arith.muli %mul3A_228, %mul3A_229 : i32
      %add3A_231 = arith.addi %mul3A_2, %mul3A_230 : i32
      %dma_wait3A_232 = arith.constant 0 : i32
      %dma_wait3A_233 = arith.constant 0 : i32
      %dma_wait3A_234 = arith.constant 0 : i32
      %dma_wait3A_235 = tpu.memref_slice %arg6[%dma_wait3A_232, %dma_wait3A_233, %dma_wait3A_234] : memref<2x40x128xf32, #tpu.memory_space<vmem>> -> memref<1x40x128xf32, #tpu.memory_space<vmem>>
      %dma_wait3A_236 = tpu.memref_squeeze %dma_wait3A_235 : memref<1x40x128xf32, #tpu.memory_space<vmem>> -> memref<40x128xf32, #tpu.memory_space<vmem>>
      %dma_wait3A_237 = arith.constant 0 : i32
      %dma_wait3A_238 = tpu.memref_slice %arg4[%add3A_231, %dma_wait3A_237] : memref<160000x128xf32, #tpu.memory_space<hbm>> -> memref<40x128xf32, #tpu.memory_space<hbm>>
      %dma_wait3A_239 = arith.constant 0 : i32
      %dma_wait3A_240 = tpu.memref_slice %arg4[%add3A_231, %dma_wait3A_239] : memref<160000x128xf32, #tpu.memory_space<hbm>> -> memref<40x128xf32, #tpu.memory_space<hbm>>
      %dma_wait3A_241 = arith.constant 0 : i32
      %dma_wait3A_242 = arith.constant 0 : i32
      %dma_wait3A_243 = tpu.memref_slice %arg6[%dma_wait3A_232, %dma_wait3A_241, %dma_wait3A_242] : memref<2x40x128xf32, #tpu.memory_space<vmem>> -> memref<1x40x128xf32, #tpu.memory_space<vmem>>
      %dma_wait3A_244 = tpu.memref_squeeze %dma_wait3A_243 : memref<1x40x128xf32, #tpu.memory_space<vmem>> -> memref<40x128xf32, #tpu.memory_space<vmem>>
      tpu.wait_dma2 semaphore(%arg10 : memref<!tpu.dma_semaphore, #tpu.memory_space<semaphore_mem>>) src(%dma_wait3A_244 : memref<40x128xf32, #tpu.memory_space<vmem>>) dst(%dma_wait3A_240 : memref<40x128xf32, #tpu.memory_space<hbm>>)
      %mul3A_245 = arith.constant 2 : i32
      %mul3A_246 = arith.muli %mul3A_245, %scan3A_159 : i32
      %add3A_247 = arith.constant 2 : i32
      %add3A_248 = arith.addi %mul3A_246, %add3A_247 : i32
      %mul3A_249 = arith.constant 40 : i32
      %mul3A_250 = arith.muli %add3A_248, %mul3A_249 : i32
      %dma_start3A_251 = arith.constant 0 : i32
      %dma_start3A_252 = arith.constant 0 : i32
      %dma_start3A_253 = arith.constant 0 : i32
      %dma_start3A_254 = tpu.memref_slice %arg6[%dma_start3A_251, %dma_start3A_252, %dma_start3A_253] : memref<2x40x128xf32, #tpu.memory_space<vmem>> -> memref<1x40x128xf32, #tpu.memory_space<vmem>>
      %dma_start3A_255 = tpu.memref_squeeze %dma_start3A_254 : memref<1x40x128xf32, #tpu.memory_space<vmem>> -> memref<40x128xf32, #tpu.memory_space<vmem>>
      %dma_start3A_256 = tpu.memref_slice %arg5[%mul3A_250] : memref<5000xi32, #tpu.memory_space<vmem>> -> memref<40xi32, #tpu.memory_space<vmem>>
      %dma_start3A_257 = arith.constant 0 : i32
      %dma_start3A_258 = arith.constant 0 : i32
      %dma_start3A_259 = tpu.memref_slice %arg7[%dma_start3A_257, %dma_start3A_258] : memref<10000x128xf32, #tpu.memory_space<vmem_shared>> -> memref<10000x128xf32, #tpu.memory_space<vmem_shared>>
      tpu.enqueue_indirect_dma source(%dma_start3A_259 : memref<10000x128xf32, #tpu.memory_space<vmem_shared>>) target(%dma_start3A_255 : memref<40x128xf32, #tpu.memory_space<vmem>>) offsets(%dma_start3A_256 : memref<40xi32, #tpu.memory_space<vmem>>) semaphore(%arg8 : memref<!tpu.dma_semaphore, #tpu.memory_space<semaphore_mem>>)
      %mul3A_260 = arith.constant 2 : i32
      %mul3A_261 = arith.muli %mul3A_260, %scan3A_159 : i32
      %add3A_262 = arith.constant 1 : i32
      %add3A_263 = arith.addi %mul3A_261, %add3A_262 : i32
      %mul3A_264 = arith.constant 40 : i32
      %mul3A_265 = arith.muli %add3A_263, %mul3A_264 : i32
      %add3A_266 = arith.addi %mul3A_2, %mul3A_265 : i32
      %dma_wait3A_267 = arith.constant 1 : i32
      %dma_wait3A_268 = arith.constant 0 : i32
      %dma_wait3A_269 = arith.constant 0 : i32
      %dma_wait3A_270 = tpu.memref_slice %arg6[%dma_wait3A_267, %dma_wait3A_268, %dma_wait3A_269] : memref<2x40x128xf32, #tpu.memory_space<vmem>> -> memref<1x40x128xf32, #tpu.memory_space<vmem>>
      %dma_wait3A_271 = tpu.memref_squeeze %dma_wait3A_270 : memref<1x40x128xf32, #tpu.memory_space<vmem>> -> memref<40x128xf32, #tpu.memory_space<vmem>>
      %dma_wait3A_272 = arith.constant 0 : i32
      %dma_wait3A_273 = tpu.memref_slice %arg4[%add3A_266, %dma_wait3A_272] : memref<160000x128xf32, #tpu.memory_space<hbm>> -> memref<40x128xf32, #tpu.memory_space<hbm>>
      %dma_wait3A_274 = arith.constant 0 : i32
      %dma_wait3A_275 = tpu.memref_slice %arg4[%add3A_266, %dma_wait3A_274] : memref<160000x128xf32, #tpu.memory_space<hbm>> -> memref<40x128xf32, #tpu.memory_space<hbm>>
      %dma_wait3A_276 = arith.constant 0 : i32
      %dma_wait3A_277 = arith.constant 0 : i32
      %dma_wait3A_278 = tpu.memref_slice %arg6[%dma_wait3A_267, %dma_wait3A_276, %dma_wait3A_277] : memref<2x40x128xf32, #tpu.memory_space<vmem>> -> memref<1x40x128xf32, #tpu.memory_space<vmem>>
      %dma_wait3A_279 = tpu.memref_squeeze %dma_wait3A_278 : memref<1x40x128xf32, #tpu.memory_space<vmem>> -> memref<40x128xf32, #tpu.memory_space<vmem>>
      tpu.wait_dma2 semaphore(%arg11 : memref<!tpu.dma_semaphore, #tpu.memory_space<semaphore_mem>>) src(%dma_wait3A_279 : memref<40x128xf32, #tpu.memory_space<vmem>>) dst(%dma_wait3A_275 : memref<40x128xf32, #tpu.memory_space<hbm>>)
      %mul3A_280 = arith.constant 2 : i32
      %mul3A_281 = arith.muli %mul3A_280, %scan3A_159 : i32
      %add3A_282 = arith.constant 3 : i32
      %add3A_283 = arith.addi %mul3A_281, %add3A_282 : i32
      %mul3A_284 = arith.constant 40 : i32
      %mul3A_285 = arith.muli %add3A_283, %mul3A_284 : i32
      %dma_start3A_286 = arith.constant 1 : i32
      %dma_start3A_287 = arith.constant 0 : i32
      %dma_start3A_288 = arith.constant 0 : i32
      %dma_start3A_289 = tpu.memref_slice %arg6[%dma_start3A_286, %dma_start3A_287, %dma_start3A_288] : memref<2x40x128xf32, #tpu.memory_space<vmem>> -> memref<1x40x128xf32, #tpu.memory_space<vmem>>
      %dma_start3A_290 = tpu.memref_squeeze %dma_start3A_289 : memref<1x40x128xf32, #tpu.memory_space<vmem>> -> memref<40x128xf32, #tpu.memory_space<vmem>>
      %dma_start3A_291 = tpu.memref_slice %arg5[%mul3A_285] : memref<5000xi32, #tpu.memory_space<vmem>> -> memref<40xi32, #tpu.memory_space<vmem>>
      %dma_start3A_292 = arith.constant 0 : i32
      %dma_start3A_293 = arith.constant 0 : i32
      %dma_start3A_294 = tpu.memref_slice %arg7[%dma_start3A_292, %dma_start3A_293] : memref<10000x128xf32, #tpu.memory_space<vmem_shared>> -> memref<10000x128xf32, #tpu.memory_space<vmem_shared>>
      tpu.enqueue_indirect_dma source(%dma_start3A_294 : memref<10000x128xf32, #tpu.memory_space<vmem_shared>>) target(%dma_start3A_290 : memref<40x128xf32, #tpu.memory_space<vmem>>) offsets(%dma_start3A_291 : memref<40xi32, #tpu.memory_space<vmem>>) semaphore(%arg9 : memref<!tpu.dma_semaphore, #tpu.memory_space<semaphore_mem>>)
      %scan3A_295 = arith.constant 0 : i32
      scf.yield %scan3A_295 : i32
    }
    %scan3A_29 = arith.constant 61 : i32
    %dma_wait3A = arith.constant 0 : i32
    %dma_wait3A_30 = arith.constant 0 : i32
    %dma_wait3A_31 = arith.constant 0 : i32
    %dma_wait3A_32 = tpu.memref_slice %arg6[%dma_wait3A, %dma_wait3A_30, %dma_wait3A_31] : memref<2x40x128xf32, #tpu.memory_space<vmem>> -> memref<1x40x128xf32, #tpu.memory_space<vmem>>
    %dma_wait3A_33 = tpu.memref_squeeze %dma_wait3A_32 : memref<1x40x128xf32, #tpu.memory_space<vmem>> -> memref<40x128xf32, #tpu.memory_space<vmem>>
    %dma_wait3A_34 = arith.constant 4880 : i32
    %dma_wait3A_35 = tpu.memref_slice %arg5[%dma_wait3A_34] : memref<5000xi32, #tpu.memory_space<vmem>> -> memref<40xi32, #tpu.memory_space<vmem>>
    %dma_wait3A_36 = arith.constant 0 : i32
    %dma_wait3A_37 = arith.constant 0 : i32
    %dma_wait3A_38 = tpu.memref_slice %arg7[%dma_wait3A_36, %dma_wait3A_37] : memref<10000x128xf32, #tpu.memory_space<vmem_shared>> -> memref<10000x128xf32, #tpu.memory_space<vmem_shared>>
    tpu.wait_indirect_dma semaphore(%arg8 : memref<!tpu.dma_semaphore, #tpu.memory_space<semaphore_mem>>) src(%dma_wait3A_38 : memref<10000x128xf32, #tpu.memory_space<vmem_shared>>) dst(%dma_wait3A_33 : memref<40x128xf32, #tpu.memory_space<vmem>>)
    %add3A_39 = arith.constant 4880 : i32
    %add3A_40 = arith.addi %mul3A_2, %add3A_39 : i32
    %dma_start3A_41 = arith.constant 0 : i32
    %dma_start3A_42 = arith.constant 0 : i32
    %dma_start3A_43 = arith.constant 0 : i32
    %dma_start3A_44 = tpu.memref_slice %arg6[%dma_start3A_41, %dma_start3A_42, %dma_start3A_43] : memref<2x40x128xf32, #tpu.memory_space<vmem>> -> memref<1x40x128xf32, #tpu.memory_space<vmem>>
    %dma_start3A_45 = tpu.memref_squeeze %dma_start3A_44 : memref<1x40x128xf32, #tpu.memory_space<vmem>> -> memref<40x128xf32, #tpu.memory_space<vmem>>
    %dma_start3A_46 = arith.constant 0 : i32
    %dma_start3A_47 = tpu.memref_slice %arg4[%add3A_40, %dma_start3A_46] : memref<160000x128xf32, #tpu.memory_space<hbm>> -> memref<40x128xf32, #tpu.memory_space<hbm>>
    %dma_start3A_48 = arith.constant 0 : i32
    %dma_start3A_49 = tpu.memref_slice %arg4[%add3A_40, %dma_start3A_48] : memref<160000x128xf32, #tpu.memory_space<hbm>> -> memref<40x128xf32, #tpu.memory_space<hbm>>
    %dma_start3A_50 = arith.constant 0 : i32
    %dma_start3A_51 = arith.constant 0 : i32
    %dma_start3A_52 = tpu.memref_slice %arg6[%dma_start3A_41, %dma_start3A_50, %dma_start3A_51] : memref<2x40x128xf32, #tpu.memory_space<vmem>> -> memref<1x40x128xf32, #tpu.memory_space<vmem>>
    %dma_start3A_53 = tpu.memref_squeeze %dma_start3A_52 : memref<1x40x128xf32, #tpu.memory_space<vmem>> -> memref<40x128xf32, #tpu.memory_space<vmem>>
    tpu.enqueue_dma source(%dma_start3A_53 : memref<40x128xf32, #tpu.memory_space<vmem>>) target(%dma_start3A_49 : memref<40x128xf32, #tpu.memory_space<hbm>>) target_semaphore(%arg10 : memref<!tpu.dma_semaphore, #tpu.memory_space<semaphore_mem>>)
    %dma_wait3A_54 = arith.constant 1 : i32
    %dma_wait3A_55 = arith.constant 0 : i32
    %dma_wait3A_56 = arith.constant 0 : i32
    %dma_wait3A_57 = tpu.memref_slice %arg6[%dma_wait3A_54, %dma_wait3A_55, %dma_wait3A_56] : memref<2x40x128xf32, #tpu.memory_space<vmem>> -> memref<1x40x128xf32, #tpu.memory_space<vmem>>
    %dma_wait3A_58 = tpu.memref_squeeze %dma_wait3A_57 : memref<1x40x128xf32, #tpu.memory_space<vmem>> -> memref<40x128xf32, #tpu.memory_space<vmem>>
    %dma_wait3A_59 = arith.constant 4920 : i32
    %dma_wait3A_60 = tpu.memref_slice %arg5[%dma_wait3A_59] : memref<5000xi32, #tpu.memory_space<vmem>> -> memref<40xi32, #tpu.memory_space<vmem>>
    %dma_wait3A_61 = arith.constant 0 : i32
    %dma_wait3A_62 = arith.constant 0 : i32
    %dma_wait3A_63 = tpu.memref_slice %arg7[%dma_wait3A_61, %dma_wait3A_62] : memref<10000x128xf32, #tpu.memory_space<vmem_shared>> -> memref<10000x128xf32, #tpu.memory_space<vmem_shared>>
    tpu.wait_indirect_dma semaphore(%arg9 : memref<!tpu.dma_semaphore, #tpu.memory_space<semaphore_mem>>) src(%dma_wait3A_63 : memref<10000x128xf32, #tpu.memory_space<vmem_shared>>) dst(%dma_wait3A_58 : memref<40x128xf32, #tpu.memory_space<vmem>>)
    %add3A_64 = arith.constant 4920 : i32
    %add3A_65 = arith.addi %mul3A_2, %add3A_64 : i32
    %dma_start3A_66 = arith.constant 1 : i32
    %dma_start3A_67 = arith.constant 0 : i32
    %dma_start3A_68 = arith.constant 0 : i32
    %dma_start3A_69 = tpu.memref_slice %arg6[%dma_start3A_66, %dma_start3A_67, %dma_start3A_68] : memref<2x40x128xf32, #tpu.memory_space<vmem>> -> memref<1x40x128xf32, #tpu.memory_space<vmem>>
    %dma_start3A_70 = tpu.memref_squeeze %dma_start3A_69 : memref<1x40x128xf32, #tpu.memory_space<vmem>> -> memref<40x128xf32, #tpu.memory_space<vmem>>
    %dma_start3A_71 = arith.constant 0 : i32
    %dma_start3A_72 = tpu.memref_slice %arg4[%add3A_65, %dma_start3A_71] : memref<160000x128xf32, #tpu.memory_space<hbm>> -> memref<40x128xf32, #tpu.memory_space<hbm>>
    %dma_start3A_73 = arith.constant 0 : i32
    %dma_start3A_74 = tpu.memref_slice %arg4[%add3A_65, %dma_start3A_73] : memref<160000x128xf32, #tpu.memory_space<hbm>> -> memref<40x128xf32, #tpu.memory_space<hbm>>
    %dma_start3A_75 = arith.constant 0 : i32
    %dma_start3A_76 = arith.constant 0 : i32
    %dma_start3A_77 = tpu.memref_slice %arg6[%dma_start3A_66, %dma_start3A_75, %dma_start3A_76] : memref<2x40x128xf32, #tpu.memory_space<vmem>> -> memref<1x40x128xf32, #tpu.memory_space<vmem>>
    %dma_start3A_78 = tpu.memref_squeeze %dma_start3A_77 : memref<1x40x128xf32, #tpu.memory_space<vmem>> -> memref<40x128xf32, #tpu.memory_space<vmem>>
    tpu.enqueue_dma source(%dma_start3A_78 : memref<40x128xf32, #tpu.memory_space<vmem>>) target(%dma_start3A_74 : memref<40x128xf32, #tpu.memory_space<hbm>>) target_semaphore(%arg11 : memref<!tpu.dma_semaphore, #tpu.memory_space<semaphore_mem>>)
    %add3A_79 = arith.constant 4880 : i32
    %add3A_80 = arith.addi %mul3A_2, %add3A_79 : i32
    %dma_wait3A_81 = arith.constant 0 : i32
    %dma_wait3A_82 = arith.constant 0 : i32
    %dma_wait3A_83 = arith.constant 0 : i32
    %dma_wait3A_84 = tpu.memref_slice %arg6[%dma_wait3A_81, %dma_wait3A_82, %dma_wait3A_83] : memref<2x40x128xf32, #tpu.memory_space<vmem>> -> memref<1x40x128xf32, #tpu.memory_space<vmem>>
    %dma_wait3A_85 = tpu.memref_squeeze %dma_wait3A_84 : memref<1x40x128xf32, #tpu.memory_space<vmem>> -> memref<40x128xf32, #tpu.memory_space<vmem>>
    %dma_wait3A_86 = arith.constant 0 : i32
    %dma_wait3A_87 = tpu.memref_slice %arg4[%add3A_80, %dma_wait3A_86] : memref<160000x128xf32, #tpu.memory_space<hbm>> -> memref<40x128xf32, #tpu.memory_space<hbm>>
    %dma_wait3A_88 = arith.constant 0 : i32
    %dma_wait3A_89 = tpu.memref_slice %arg4[%add3A_80, %dma_wait3A_88] : memref<160000x128xf32, #tpu.memory_space<hbm>> -> memref<40x128xf32, #tpu.memory_space<hbm>>
    %dma_wait3A_90 = arith.constant 0 : i32
    %dma_wait3A_91 = arith.constant 0 : i32
    %dma_wait3A_92 = tpu.memref_slice %arg6[%dma_wait3A_81, %dma_wait3A_90, %dma_wait3A_91] : memref<2x40x128xf32, #tpu.memory_space<vmem>> -> memref<1x40x128xf32, #tpu.memory_space<vmem>>
    %dma_wait3A_93 = tpu.memref_squeeze %dma_wait3A_92 : memref<1x40x128xf32, #tpu.memory_space<vmem>> -> memref<40x128xf32, #tpu.memory_space<vmem>>
    tpu.wait_dma2 semaphore(%arg10 : memref<!tpu.dma_semaphore, #tpu.memory_space<semaphore_mem>>) src(%dma_wait3A_93 : memref<40x128xf32, #tpu.memory_space<vmem>>) dst(%dma_wait3A_89 : memref<40x128xf32, #tpu.memory_space<hbm>>)
    %dma_start3A_94 = arith.constant 0 : i32
    %dma_start3A_95 = arith.constant 0 : i32
    %dma_start3A_96 = arith.constant 0 : i32
    %dma_start3A_97 = tpu.memref_slice %arg6[%dma_start3A_94, %dma_start3A_95, %dma_start3A_96] : memref<2x40x128xf32, #tpu.memory_space<vmem>> -> memref<1x40x128xf32, #tpu.memory_space<vmem>>
    %dma_start3A_98 = tpu.memref_squeeze %dma_start3A_97 : memref<1x40x128xf32, #tpu.memory_space<vmem>> -> memref<40x128xf32, #tpu.memory_space<vmem>>
    %dma_start3A_99 = arith.constant 4960 : i32
    %dma_start3A_100 = tpu.memref_slice %arg5[%dma_start3A_99] : memref<5000xi32, #tpu.memory_space<vmem>> -> memref<40xi32, #tpu.memory_space<vmem>>
    %dma_start3A_101 = arith.constant 0 : i32
    %dma_start3A_102 = arith.constant 0 : i32
    %dma_start3A_103 = tpu.memref_slice %arg7[%dma_start3A_101, %dma_start3A_102] : memref<10000x128xf32, #tpu.memory_space<vmem_shared>> -> memref<10000x128xf32, #tpu.memory_space<vmem_shared>>
    tpu.enqueue_indirect_dma source(%dma_start3A_103 : memref<10000x128xf32, #tpu.memory_space<vmem_shared>>) target(%dma_start3A_98 : memref<40x128xf32, #tpu.memory_space<vmem>>) offsets(%dma_start3A_100 : memref<40xi32, #tpu.memory_space<vmem>>) semaphore(%arg8 : memref<!tpu.dma_semaphore, #tpu.memory_space<semaphore_mem>>)
    %add3A_104 = arith.constant 4920 : i32
    %add3A_105 = arith.addi %mul3A_2, %add3A_104 : i32
    %dma_wait3A_106 = arith.constant 1 : i32
    %dma_wait3A_107 = arith.constant 0 : i32
    %dma_wait3A_108 = arith.constant 0 : i32
    %dma_wait3A_109 = tpu.memref_slice %arg6[%dma_wait3A_106, %dma_wait3A_107, %dma_wait3A_108] : memref<2x40x128xf32, #tpu.memory_space<vmem>> -> memref<1x40x128xf32, #tpu.memory_space<vmem>>
    %dma_wait3A_110 = tpu.memref_squeeze %dma_wait3A_109 : memref<1x40x128xf32, #tpu.memory_space<vmem>> -> memref<40x128xf32, #tpu.memory_space<vmem>>
    %dma_wait3A_111 = arith.constant 0 : i32
    %dma_wait3A_112 = tpu.memref_slice %arg4[%add3A_105, %dma_wait3A_111] : memref<160000x128xf32, #tpu.memory_space<hbm>> -> memref<40x128xf32, #tpu.memory_space<hbm>>
    %dma_wait3A_113 = arith.constant 0 : i32
    %dma_wait3A_114 = tpu.memref_slice %arg4[%add3A_105, %dma_wait3A_113] : memref<160000x128xf32, #tpu.memory_space<hbm>> -> memref<40x128xf32, #tpu.memory_space<hbm>>
    %dma_wait3A_115 = arith.constant 0 : i32
    %dma_wait3A_116 = arith.constant 0 : i32
    %dma_wait3A_117 = tpu.memref_slice %arg6[%dma_wait3A_106, %dma_wait3A_115, %dma_wait3A_116] : memref<2x40x128xf32, #tpu.memory_space<vmem>> -> memref<1x40x128xf32, #tpu.memory_space<vmem>>
    %dma_wait3A_118 = tpu.memref_squeeze %dma_wait3A_117 : memref<1x40x128xf32, #tpu.memory_space<vmem>> -> memref<40x128xf32, #tpu.memory_space<vmem>>
    tpu.wait_dma2 semaphore(%arg11 : memref<!tpu.dma_semaphore, #tpu.memory_space<semaphore_mem>>) src(%dma_wait3A_118 : memref<40x128xf32, #tpu.memory_space<vmem>>) dst(%dma_wait3A_114 : memref<40x128xf32, #tpu.memory_space<hbm>>)
    %dma_wait3A_119 = arith.constant 0 : i32
    %dma_wait3A_120 = arith.constant 0 : i32
    %dma_wait3A_121 = arith.constant 0 : i32
    %dma_wait3A_122 = tpu.memref_slice %arg6[%dma_wait3A_119, %dma_wait3A_120, %dma_wait3A_121] : memref<2x40x128xf32, #tpu.memory_space<vmem>> -> memref<1x40x128xf32, #tpu.memory_space<vmem>>
    %dma_wait3A_123 = tpu.memref_squeeze %dma_wait3A_122 : memref<1x40x128xf32, #tpu.memory_space<vmem>> -> memref<40x128xf32, #tpu.memory_space<vmem>>
    %dma_wait3A_124 = arith.constant 4960 : i32
    %dma_wait3A_125 = tpu.memref_slice %arg5[%dma_wait3A_124] : memref<5000xi32, #tpu.memory_space<vmem>> -> memref<40xi32, #tpu.memory_space<vmem>>
    %dma_wait3A_126 = arith.constant 0 : i32
    %dma_wait3A_127 = arith.constant 0 : i32
    %dma_wait3A_128 = tpu.memref_slice %arg7[%dma_wait3A_126, %dma_wait3A_127] : memref<10000x128xf32, #tpu.memory_space<vmem_shared>> -> memref<10000x128xf32, #tpu.memory_space<vmem_shared>>
    tpu.wait_indirect_dma semaphore(%arg8 : memref<!tpu.dma_semaphore, #tpu.memory_space<semaphore_mem>>) src(%dma_wait3A_128 : memref<10000x128xf32, #tpu.memory_space<vmem_shared>>) dst(%dma_wait3A_123 : memref<40x128xf32, #tpu.memory_space<vmem>>)
    %add3A_129 = arith.constant 4960 : i32
    %add3A_130 = arith.addi %mul3A_2, %add3A_129 : i32
    %dma_start3A_131 = arith.constant 0 : i32
    %dma_start3A_132 = arith.constant 0 : i32
    %dma_start3A_133 = arith.constant 0 : i32
    %dma_start3A_134 = tpu.memref_slice %arg6[%dma_start3A_131, %dma_start3A_132, %dma_start3A_133] : memref<2x40x128xf32, #tpu.memory_space<vmem>> -> memref<1x40x128xf32, #tpu.memory_space<vmem>>
    %dma_start3A_135 = tpu.memref_squeeze %dma_start3A_134 : memref<1x40x128xf32, #tpu.memory_space<vmem>> -> memref<40x128xf32, #tpu.memory_space<vmem>>
    %dma_start3A_136 = arith.constant 0 : i32
    %dma_start3A_137 = tpu.memref_slice %arg4[%add3A_130, %dma_start3A_136] : memref<160000x128xf32, #tpu.memory_space<hbm>> -> memref<40x128xf32, #tpu.memory_space<hbm>>
    %dma_start3A_138 = arith.constant 0 : i32
    %dma_start3A_139 = tpu.memref_slice %arg4[%add3A_130, %dma_start3A_138] : memref<160000x128xf32, #tpu.memory_space<hbm>> -> memref<40x128xf32, #tpu.memory_space<hbm>>
    %dma_start3A_140 = arith.constant 0 : i32
    %dma_start3A_141 = arith.constant 0 : i32
    %dma_start3A_142 = tpu.memref_slice %arg6[%dma_start3A_131, %dma_start3A_140, %dma_start3A_141] : memref<2x40x128xf32, #tpu.memory_space<vmem>> -> memref<1x40x128xf32, #tpu.memory_space<vmem>>
    %dma_start3A_143 = tpu.memref_squeeze %dma_start3A_142 : memref<1x40x128xf32, #tpu.memory_space<vmem>> -> memref<40x128xf32, #tpu.memory_space<vmem>>
    tpu.enqueue_dma source(%dma_start3A_143 : memref<40x128xf32, #tpu.memory_space<vmem>>) target(%dma_start3A_139 : memref<40x128xf32, #tpu.memory_space<hbm>>) target_semaphore(%arg10 : memref<!tpu.dma_semaphore, #tpu.memory_space<semaphore_mem>>)
    %add3A_144 = arith.constant 4960 : i32
    %add3A_145 = arith.addi %mul3A_2, %add3A_144 : i32
    %dma_wait3A_146 = arith.constant 0 : i32
    %dma_wait3A_147 = arith.constant 0 : i32
    %dma_wait3A_148 = arith.constant 0 : i32
    %dma_wait3A_149 = tpu.memref_slice %arg6[%dma_wait3A_146, %dma_wait3A_147, %dma_wait3A_148] : memref<2x40x128xf32, #tpu.memory_space<vmem>> -> memref<1x40x128xf32, #tpu.memory_space<vmem>>
    %dma_wait3A_150 = tpu.memref_squeeze %dma_wait3A_149 : memref<1x40x128xf32, #tpu.memory_space<vmem>> -> memref<40x128xf32, #tpu.memory_space<vmem>>
    %dma_wait3A_151 = arith.constant 0 : i32
    %dma_wait3A_152 = tpu.memref_slice %arg4[%add3A_145, %dma_wait3A_151] : memref<160000x128xf32, #tpu.memory_space<hbm>> -> memref<40x128xf32, #tpu.memory_space<hbm>>
    %dma_wait3A_153 = arith.constant 0 : i32
    %dma_wait3A_154 = tpu.memref_slice %arg4[%add3A_145, %dma_wait3A_153] : memref<160000x128xf32, #tpu.memory_space<hbm>> -> memref<40x128xf32, #tpu.memory_space<hbm>>
    %dma_wait3A_155 = arith.constant 0 : i32
    %dma_wait3A_156 = arith.constant 0 : i32
    %dma_wait3A_157 = tpu.memref_slice %arg6[%dma_wait3A_146, %dma_wait3A_155, %dma_wait3A_156] : memref<2x40x128xf32, #tpu.memory_space<vmem>> -> memref<1x40x128xf32, #tpu.memory_space<vmem>>
    %dma_wait3A_158 = tpu.memref_squeeze %dma_wait3A_157 : memref<1x40x128xf32, #tpu.memory_space<vmem>> -> memref<40x128xf32, #tpu.memory_space<vmem>>
    tpu.wait_dma2 semaphore(%arg10 : memref<!tpu.dma_semaphore, #tpu.memory_space<semaphore_mem>>) src(%dma_wait3A_158 : memref<40x128xf32, #tpu.memory_space<vmem>>) dst(%dma_wait3A_154 : memref<40x128xf32, #tpu.memory_space<hbm>>)
    return
  }
}

module attributes {stable_mosaic.version = 14 : i64} {
  func.func @_stats_body(%arg0: i32, %arg1: memref<6400x128xf32, #tpu.memory_space<vmem>>, %arg2: memref<6400x16xbf16, #tpu.memory_space<vmem>>, %arg3: memref<200x128xf32, #tpu.memory_space<vmem>>, %arg4: memref<128x256xbf16, #tpu.memory_space<vmem>>, %arg5: memref<1x256xf32, #tpu.memory_space<vmem>>, %arg6: memref<144x256xbf16, #tpu.memory_space<vmem>>, %arg7: memref<2x256xf32, #tpu.memory_space<vmem>>) attributes {dimension_semantics = [#tpu.dimension_semantics<arbitrary>], iteration_bounds = array<i64: 25>, scalar_prefetch = 0 : i64, scratch_operands = 0 : i64, tpu.core_type = #tpu.core_type<tc>, window_params = [{transform_indices = @transform_0, window_bounds = array<i64: 6400, 128>}, {transform_indices = @transform_1, window_bounds = array<i64: 6400, 16>}, {transform_indices = @transform_2, window_bounds = array<i64: 200, 128>}, {pipeline_mode = #tpu.pipeline_mode<synchronous>, transform_indices = @transform_3, window_bounds = array<i64: 128, 256>}, {pipeline_mode = #tpu.pipeline_mode<synchronous>, transform_indices = @transform_4, window_bounds = array<i64: 1, 256>}, {pipeline_mode = #tpu.pipeline_mode<synchronous>, transform_indices = @transform_5, window_bounds = array<i64: 144, 256>}, {pipeline_mode = #tpu.pipeline_mode<synchronous>, transform_indices = @transform_6, window_bounds = array<i64: 2, 256>}]} {
    %get3A = arith.constant 0 : index
    %get3A_0 = arith.constant 0 : index
    %get3A_1 = vector.load %arg3[%get3A, %get3A_0] : memref<200x128xf32, #tpu.memory_space<vmem>>, vector<200x128xf32>
    %convert_element_type3A = arith.truncf %get3A_1 : vector<200x128xf32> to vector<200x128xbf16>
    %get3A_2 = arith.constant 0 : index
    %get3A_3 = arith.constant 0 : index
    %get3A_4 = vector.load %arg4[%get3A_2, %get3A_3] : memref<128x256xbf16, #tpu.memory_space<vmem>>, vector<128x256xbf16>
    %dot_general3A = arith.constant dense<0.000000e+00> : vector<200x256xf32>
    %dot_general3A_5 = tpu.matmul %convert_element_type3A, %get3A_4, %dot_general3A {dimension_numbers = #tpu.dot_dimension_numbers<[1], [0], [0], [1], [0, 0, 1, 1], [], []>, transpose_lhs_hint = false} : vector<200x128xbf16>, vector<128x256xbf16>, vector<200x256xf32> -> vector<200x256xf32>
    %get3A_6 = arith.constant 0 : index
    %get3A_7 = arith.constant 0 : index
    %get3A_8 = vector.load %arg5[%get3A_6, %get3A_7] : memref<1x256xf32, #tpu.memory_space<vmem>>, vector<1x256xf32>
    %add3A = vector.broadcast %get3A_8 : vector<1x256xf32> to vector<200x256xf32>
    %add3A_9 = arith.addf %dot_general3A_5, %add3A : vector<200x256xf32>
    %get3A_10 = arith.constant 0 : index
    %get3A_11 = arith.constant 0 : index
    %get3A_12 = vector.load %arg1[%get3A_10, %get3A_11] : memref<6400x128xf32, #tpu.memory_space<vmem>>, vector<6400x128xf32>
    %convert_element_type3A_13 = arith.truncf %get3A_12 : vector<6400x128xf32> to vector<6400x128xbf16>
    %get3A_14 = arith.constant 0 : index
    %get3A_15 = arith.constant 0 : index
    %get3A_16 = vector.load %arg2[%get3A_14, %get3A_15] : memref<6400x16xbf16, #tpu.memory_space<vmem>>, vector<6400x16xbf16>
    %concatenate3A = tpu.concatenate %convert_element_type3A_13, %get3A_16 in 1 : vector<6400x128xbf16>, vector<6400x16xbf16> -> vector<6400x144xbf16>
    %get3A_17 = arith.constant 0 : index
    %get3A_18 = arith.constant 0 : index
    %get3A_19 = vector.load %arg6[%get3A_17, %get3A_18] : memref<144x256xbf16, #tpu.memory_space<vmem>>, vector<144x256xbf16>
    %dot_general3A_20 = arith.constant dense<0.000000e+00> : vector<6400x256xf32>
    %dot_general3A_21 = tpu.matmul %concatenate3A, %get3A_19, %dot_general3A_20 {dimension_numbers = #tpu.dot_dimension_numbers<[1], [0], [0], [1], [0, 0, 1, 1], [], []>, transpose_lhs_hint = false} : vector<6400x144xbf16>, vector<144x256xbf16>, vector<6400x256xf32> -> vector<6400x256xf32>
    %reshape3A = vector.shape_cast %dot_general3A_21 : vector<6400x256xf32> to vector<200x32x256xf32>
    %broadcast_in_dim3A = vector.shape_cast %add3A_9 : vector<200x256xf32> to vector<200x1x256xf32>
    %add3A_22 = vector.broadcast %broadcast_in_dim3A : vector<200x1x256xf32> to vector<200x32x256xf32>
    %add3A_23 = arith.addf %reshape3A, %add3A_22 : vector<200x32x256xf32>
    %reshape3A_24 = vector.shape_cast %add3A_23 : vector<200x32x256xf32> to vector<6400x256xf32>
    %reduce_sum3A = arith.constant dense<0.000000e+00> : vector<256xf32>
    %reduce_sum3A_25 = vector.multi_reduction <add>, %reshape3A_24, %reduce_sum3A [0] : vector<6400x256xf32> to vector<256xf32>
    %broadcast_in_dim3A_26 = vector.shape_cast %reduce_sum3A_25 : vector<256xf32> to vector<1x256xf32>
    %mul3A = arith.mulf %reshape3A_24, %reshape3A_24 : vector<6400x256xf32>
    %reduce_sum3A_27 = arith.constant dense<0.000000e+00> : vector<256xf32>
    %reduce_sum3A_28 = vector.multi_reduction <add>, %mul3A, %reduce_sum3A_27 [0] : vector<6400x256xf32> to vector<256xf32>
    %broadcast_in_dim3A_29 = vector.shape_cast %reduce_sum3A_28 : vector<256xf32> to vector<1x256xf32>
    %concatenate3A_30 = tpu.concatenate %broadcast_in_dim3A_26, %broadcast_in_dim3A_29 in 0 : vector<1x256xf32>, vector<1x256xf32> -> vector<2x256xf32>
    %eq3A = arith.constant 0 : i32
    %eq3A_31 = arith.cmpi eq, %arg0, %eq3A : i32
    %convert_element_type3A_32 = arith.extui %eq3A_31 : i1 to i32
    %cond3A = arith.constant 0 : i32
    %cond3A_33 = arith.cmpi ne, %convert_element_type3A_32, %cond3A : i32
    scf.if %cond3A_33 {
      %broadcast_in_dim3A_40 = arith.constant 0.000000e+00 : f32
      %broadcast_in_dim3A_41 = vector.broadcast %broadcast_in_dim3A_40 : f32 to vector<2x256xf32>
      %swap3A_42 = arith.constant 0 : index
      %swap3A_43 = arith.constant 0 : index
      %swap3A_44 = vector.load %arg7[%swap3A_42, %swap3A_43] : memref<2x256xf32, #tpu.memory_space<vmem>>, vector<2x256xf32>
      tpu.vector_store %arg7[%swap3A_42, %swap3A_43], %broadcast_in_dim3A_41 {strides = array<i32>} : memref<2x256xf32, #tpu.memory_space<vmem>>, vector<2x256xf32>,
    } else {
    }
    %get3A_34 = arith.constant 0 : index
    %get3A_35 = arith.constant 0 : index
    %get3A_36 = vector.load %arg7[%get3A_34, %get3A_35] : memref<2x256xf32, #tpu.memory_space<vmem>>, vector<2x256xf32>
    %add3A_37 = arith.addf %get3A_36, %concatenate3A_30 : vector<2x256xf32>
    %swap3A = arith.constant 0 : index
    %swap3A_38 = arith.constant 0 : index
    %swap3A_39 = vector.load %arg7[%swap3A, %swap3A_38] : memref<2x256xf32, #tpu.memory_space<vmem>>, vector<2x256xf32>
    tpu.vector_store %arg7[%swap3A, %swap3A_38], %add3A_37 {strides = array<i32>} : memref<2x256xf32, #tpu.memory_space<vmem>>, vector<2x256xf32>,
    return
  }
  func.func @transform_0(%arg0: i32) -> (i32, i32) {
    %c0_i32 = arith.constant 0 : i32
    %c0_i32_0 = arith.constant 0 : i32
    return %arg0, %c0_i32 : i32, i32
  }
  func.func @transform_1(%arg0: i32) -> (i32, i32) {
    %add3A = arith.constant 25 : i32
    %add3A_0 = arith.addi %arg0, %add3A : i32
    %c0_i32 = arith.constant 0 : i32
    %c0_i32_1 = arith.constant 0 : i32
    return %add3A_0, %c0_i32 : i32, i32
  }
  func.func @transform_2(%arg0: i32) -> (i32, i32) {
    %add3A = arith.constant 25 : i32
    %add3A_0 = arith.addi %arg0, %add3A : i32
    %c0_i32 = arith.constant 0 : i32
    %c0_i32_1 = arith.constant 0 : i32
    return %add3A_0, %c0_i32 : i32, i32
  }
  func.func @transform_3(%arg0: i32) -> (i32, i32) {
    %c0_i32 = arith.constant 0 : i32
    %c0_i32_0 = arith.constant 0 : i32
    %c0_i32_1 = arith.constant 0 : i32
    return %c0_i32, %c0_i32_0 : i32, i32
  }
  func.func @transform_4(%arg0: i32) -> (i32, i32) {
    %c0_i32 = arith.constant 0 : i32
    %c0_i32_0 = arith.constant 0 : i32
    %c0_i32_1 = arith.constant 0 : i32
    return %c0_i32, %c0_i32_0 : i32, i32
  }
  func.func @transform_5(%arg0: i32) -> (i32, i32) {
    %c0_i32 = arith.constant 0 : i32
    %c0_i32_0 = arith.constant 0 : i32
    %c0_i32_1 = arith.constant 0 : i32
    return %c0_i32, %c0_i32_0 : i32, i32
  }
  func.func @transform_6(%arg0: i32) -> (i32, i32) {
    %c0_i32 = arith.constant 0 : i32
    %c0_i32_0 = arith.constant 0 : i32
    %c0_i32_1 = arith.constant 0 : i32
    return %c0_i32, %c0_i32_0 : i32, i32
  }
}

module attributes {stable_mosaic.version = 14 : i64} {
  func.func @_stats_body(%arg0: i32, %arg1: memref<6400x128xf32, #tpu.memory_space<vmem>>, %arg2: memref<6400x16xbf16, #tpu.memory_space<vmem>>, %arg3: memref<200x128xf32, #tpu.memory_space<vmem>>, %arg4: memref<128x256xbf16, #tpu.memory_space<vmem>>, %arg5: memref<1x256xf32, #tpu.memory_space<vmem>>, %arg6: memref<144x256xbf16, #tpu.memory_space<vmem>>, %arg7: memref<2x256xf32, #tpu.memory_space<vmem>>) attributes {dimension_semantics = [#tpu.dimension_semantics<arbitrary>], iteration_bounds = array<i64: 25>, scalar_prefetch = 0 : i64, scratch_operands = 0 : i64, tpu.core_type = #tpu.core_type<tc>, window_params = [{transform_indices = @transform_0, window_bounds = array<i64: 6400, 128>}, {transform_indices = @transform_1, window_bounds = array<i64: 6400, 16>}, {transform_indices = @transform_2, window_bounds = array<i64: 200, 128>}, {pipeline_mode = #tpu.pipeline_mode<synchronous>, transform_indices = @transform_3, window_bounds = array<i64: 128, 256>}, {pipeline_mode = #tpu.pipeline_mode<synchronous>, transform_indices = @transform_4, window_bounds = array<i64: 1, 256>}, {pipeline_mode = #tpu.pipeline_mode<synchronous>, transform_indices = @transform_5, window_bounds = array<i64: 144, 256>}, {pipeline_mode = #tpu.pipeline_mode<synchronous>, transform_indices = @transform_6, window_bounds = array<i64: 2, 256>}]} {
    %get3A = arith.constant 0 : index
    %get3A_0 = arith.constant 0 : index
    %get3A_1 = vector.load %arg3[%get3A, %get3A_0] : memref<200x128xf32, #tpu.memory_space<vmem>>, vector<200x128xf32>
    %convert_element_type3A = arith.truncf %get3A_1 : vector<200x128xf32> to vector<200x128xbf16>
    %get3A_2 = arith.constant 0 : index
    %get3A_3 = arith.constant 0 : index
    %get3A_4 = vector.load %arg4[%get3A_2, %get3A_3] : memref<128x256xbf16, #tpu.memory_space<vmem>>, vector<128x256xbf16>
    %dot_general3A = arith.constant dense<0.000000e+00> : vector<200x256xf32>
    %dot_general3A_5 = tpu.matmul %convert_element_type3A, %get3A_4, %dot_general3A {dimension_numbers = #tpu.dot_dimension_numbers<[1], [0], [0], [1], [0, 0, 1, 1], [], []>, transpose_lhs_hint = false} : vector<200x128xbf16>, vector<128x256xbf16>, vector<200x256xf32> -> vector<200x256xf32>
    %get3A_6 = arith.constant 0 : index
    %get3A_7 = arith.constant 0 : index
    %get3A_8 = vector.load %arg5[%get3A_6, %get3A_7] : memref<1x256xf32, #tpu.memory_space<vmem>>, vector<1x256xf32>
    %add3A = vector.broadcast %get3A_8 : vector<1x256xf32> to vector<200x256xf32>
    %add3A_9 = arith.addf %dot_general3A_5, %add3A : vector<200x256xf32>
    %get3A_10 = arith.constant 0 : index
    %get3A_11 = arith.constant 0 : index
    %get3A_12 = vector.load %arg1[%get3A_10, %get3A_11] : memref<6400x128xf32, #tpu.memory_space<vmem>>, vector<6400x128xf32>
    %convert_element_type3A_13 = arith.truncf %get3A_12 : vector<6400x128xf32> to vector<6400x128xbf16>
    %get3A_14 = arith.constant 0 : index
    %get3A_15 = arith.constant 0 : index
    %get3A_16 = vector.load %arg2[%get3A_14, %get3A_15] : memref<6400x16xbf16, #tpu.memory_space<vmem>>, vector<6400x16xbf16>
    %concatenate3A = tpu.concatenate %convert_element_type3A_13, %get3A_16 in 1 : vector<6400x128xbf16>, vector<6400x16xbf16> -> vector<6400x144xbf16>
    %get3A_17 = arith.constant 0 : index
    %get3A_18 = arith.constant 0 : index
    %get3A_19 = vector.load %arg6[%get3A_17, %get3A_18] : memref<144x256xbf16, #tpu.memory_space<vmem>>, vector<144x256xbf16>
    %dot_general3A_20 = arith.constant dense<0.000000e+00> : vector<6400x256xf32>
    %dot_general3A_21 = tpu.matmul %concatenate3A, %get3A_19, %dot_general3A_20 {dimension_numbers = #tpu.dot_dimension_numbers<[1], [0], [0], [1], [0, 0, 1, 1], [], []>, transpose_lhs_hint = false} : vector<6400x144xbf16>, vector<144x256xbf16>, vector<6400x256xf32> -> vector<6400x256xf32>
    %reshape3A = vector.shape_cast %dot_general3A_21 : vector<6400x256xf32> to vector<200x32x256xf32>
    %broadcast_in_dim3A = vector.shape_cast %add3A_9 : vector<200x256xf32> to vector<200x1x256xf32>
    %add3A_22 = vector.broadcast %broadcast_in_dim3A : vector<200x1x256xf32> to vector<200x32x256xf32>
    %add3A_23 = arith.addf %reshape3A, %add3A_22 : vector<200x32x256xf32>
    %reshape3A_24 = vector.shape_cast %add3A_23 : vector<200x32x256xf32> to vector<6400x256xf32>
    %reduce_sum3A = arith.constant dense<0.000000e+00> : vector<256xf32>
    %reduce_sum3A_25 = vector.multi_reduction <add>, %reshape3A_24, %reduce_sum3A [0] : vector<6400x256xf32> to vector<256xf32>
    %broadcast_in_dim3A_26 = vector.shape_cast %reduce_sum3A_25 : vector<256xf32> to vector<1x256xf32>
    %mul3A = arith.mulf %reshape3A_24, %reshape3A_24 : vector<6400x256xf32>
    %reduce_sum3A_27 = arith.constant dense<0.000000e+00> : vector<256xf32>
    %reduce_sum3A_28 = vector.multi_reduction <add>, %mul3A, %reduce_sum3A_27 [0] : vector<6400x256xf32> to vector<256xf32>
    %broadcast_in_dim3A_29 = vector.shape_cast %reduce_sum3A_28 : vector<256xf32> to vector<1x256xf32>
    %concatenate3A_30 = tpu.concatenate %broadcast_in_dim3A_26, %broadcast_in_dim3A_29 in 0 : vector<1x256xf32>, vector<1x256xf32> -> vector<2x256xf32>
    %eq3A = arith.constant 0 : i32
    %eq3A_31 = arith.cmpi eq, %arg0, %eq3A : i32
    %convert_element_type3A_32 = arith.extui %eq3A_31 : i1 to i32
    %cond3A = arith.constant 0 : i32
    %cond3A_33 = arith.cmpi ne, %convert_element_type3A_32, %cond3A : i32
    scf.if %cond3A_33 {
      %broadcast_in_dim3A_40 = arith.constant 0.000000e+00 : f32
      %broadcast_in_dim3A_41 = vector.broadcast %broadcast_in_dim3A_40 : f32 to vector<2x256xf32>
      %swap3A_42 = arith.constant 0 : index
      %swap3A_43 = arith.constant 0 : index
      %swap3A_44 = vector.load %arg7[%swap3A_42, %swap3A_43] : memref<2x256xf32, #tpu.memory_space<vmem>>, vector<2x256xf32>
      tpu.vector_store %arg7[%swap3A_42, %swap3A_43], %broadcast_in_dim3A_41 {strides = array<i32>} : memref<2x256xf32, #tpu.memory_space<vmem>>, vector<2x256xf32>,
    } else {
    }
    %get3A_34 = arith.constant 0 : index
    %get3A_35 = arith.constant 0 : index
    %get3A_36 = vector.load %arg7[%get3A_34, %get3A_35] : memref<2x256xf32, #tpu.memory_space<vmem>>, vector<2x256xf32>
    %add3A_37 = arith.addf %get3A_36, %concatenate3A_30 : vector<2x256xf32>
    %swap3A = arith.constant 0 : index
    %swap3A_38 = arith.constant 0 : index
    %swap3A_39 = vector.load %arg7[%swap3A, %swap3A_38] : memref<2x256xf32, #tpu.memory_space<vmem>>, vector<2x256xf32>
    tpu.vector_store %arg7[%swap3A, %swap3A_38], %add3A_37 {strides = array<i32>} : memref<2x256xf32, #tpu.memory_space<vmem>>, vector<2x256xf32>,
    return
  }
  func.func @transform_0(%arg0: i32) -> (i32, i32) {
    %c0_i32 = arith.constant 0 : i32
    %c0_i32_0 = arith.constant 0 : i32
    return %arg0, %c0_i32 : i32, i32
  }
  func.func @transform_1(%arg0: i32) -> (i32, i32) {
    %add3A = arith.constant 0 : i32
    %add3A_0 = arith.addi %arg0, %add3A : i32
    %c0_i32 = arith.constant 0 : i32
    %c0_i32_1 = arith.constant 0 : i32
    return %add3A_0, %c0_i32 : i32, i32
  }
  func.func @transform_2(%arg0: i32) -> (i32, i32) {
    %add3A = arith.constant 0 : i32
    %add3A_0 = arith.addi %arg0, %add3A : i32
    %c0_i32 = arith.constant 0 : i32
    %c0_i32_1 = arith.constant 0 : i32
    return %add3A_0, %c0_i32 : i32, i32
  }
  func.func @transform_3(%arg0: i32) -> (i32, i32) {
    %c0_i32 = arith.constant 0 : i32
    %c0_i32_0 = arith.constant 0 : i32
    %c0_i32_1 = arith.constant 0 : i32
    return %c0_i32, %c0_i32_0 : i32, i32
  }
  func.func @transform_4(%arg0: i32) -> (i32, i32) {
    %c0_i32 = arith.constant 0 : i32
    %c0_i32_0 = arith.constant 0 : i32
    %c0_i32_1 = arith.constant 0 : i32
    return %c0_i32, %c0_i32_0 : i32, i32
  }
  func.func @transform_5(%arg0: i32) -> (i32, i32) {
    %c0_i32 = arith.constant 0 : i32
    %c0_i32_0 = arith.constant 0 : i32
    %c0_i32_1 = arith.constant 0 : i32
    return %c0_i32, %c0_i32_0 : i32, i32
  }
  func.func @transform_6(%arg0: i32) -> (i32, i32) {
    %c0_i32 = arith.constant 0 : i32
    %c0_i32_0 = arith.constant 0 : i32
    %c0_i32_1 = arith.constant 0 : i32
    return %c0_i32, %c0_i32_0 : i32, i32
  }
}

module attributes {stable_mosaic.version = 14 : i64} {
  func.func @_gate_body(%arg0: i32, %arg1: memref<6400x128xf32, #tpu.memory_space<vmem>>, %arg2: memref<6400x16xbf16, #tpu.memory_space<vmem>>, %arg3: memref<200x128xf32, #tpu.memory_space<vmem>>, %arg4: memref<128x256xbf16, #tpu.memory_space<vmem>>, %arg5: memref<1x256xf32, #tpu.memory_space<vmem>>, %arg6: memref<144x256xbf16, #tpu.memory_space<vmem>>, %arg7: memref<2x256xf32, #tpu.memory_space<vmem>>, %arg8: memref<1x256xf32, #tpu.memory_space<vmem>>, %arg9: memref<1x256xf32, #tpu.memory_space<vmem>>, %arg10: memref<200x128xf32, #tpu.memory_space<vmem>>, %arg11: memref<2x128xf32, #tpu.memory_space<vmem>>) attributes {dimension_semantics = [#tpu.dimension_semantics<arbitrary>], iteration_bounds = array<i64: 25>, scalar_prefetch = 0 : i64, scratch_operands = 0 : i64, tpu.core_type = #tpu.core_type<tc>, window_params = [{transform_indices = @transform_0, window_bounds = array<i64: 6400, 128>}, {transform_indices = @transform_1, window_bounds = array<i64: 6400, 16>}, {transform_indices = @transform_2, window_bounds = array<i64: 200, 128>}, {pipeline_mode = #tpu.pipeline_mode<synchronous>, transform_indices = @transform_3, window_bounds = array<i64: 128, 256>}, {pipeline_mode = #tpu.pipeline_mode<synchronous>, transform_indices = @transform_4, window_bounds = array<i64: 1, 256>}, {pipeline_mode = #tpu.pipeline_mode<synchronous>, transform_indices = @transform_5, window_bounds = array<i64: 144, 256>}, {pipeline_mode = #tpu.pipeline_mode<synchronous>, transform_indices = @transform_6, window_bounds = array<i64: 2, 256>}, {pipeline_mode = #tpu.pipeline_mode<synchronous>, transform_indices = @transform_7, window_bounds = array<i64: 1, 256>}, {pipeline_mode = #tpu.pipeline_mode<synchronous>, transform_indices = @transform_8, window_bounds = array<i64: 1, 256>}, {transform_indices = @transform_9, window_bounds = array<i64: 200, 128>}, {pipeline_mode = #tpu.pipeline_mode<synchronous>, transform_indices = @transform_10, window_bounds = array<i64: 2, 128>}]} {
    %get3A = arith.constant 0 : index
    %get3A_0 = arith.constant 0 : index
    %get3A_1 = vector.load %arg7[%get3A, %get3A_0] : memref<2x256xf32, #tpu.memory_space<vmem>>, vector<1x256xf32>
    %div3A = arith.constant 3.200000e+05 : f32
    %div3A_2 = vector.broadcast %div3A : f32 to vector<1x256xf32>
    %div3A_3 = arith.divf %get3A_1, %div3A_2 : vector<1x256xf32>
    %get3A_4 = arith.constant 1 : index
    %get3A_5 = arith.constant 0 : index
    %get3A_6 = vector.load %arg7[%get3A_4, %get3A_5] : memref<2x256xf32, #tpu.memory_space<vmem>>, vector<1x256xf32>
    %div3A_7 = arith.constant 3.200000e+05 : f32
    %div3A_8 = vector.broadcast %div3A_7 : f32 to vector<1x256xf32>
    %div3A_9 = arith.divf %get3A_6, %div3A_8 : vector<1x256xf32>
    %mul3A = arith.mulf %div3A_3, %div3A_3 : vector<1x256xf32>
    %sub3A = arith.subf %div3A_9, %mul3A : vector<1x256xf32>
    %get3A_10 = arith.constant 0 : index
    %get3A_11 = arith.constant 0 : index
    %get3A_12 = vector.load %arg8[%get3A_10, %get3A_11] : memref<1x256xf32, #tpu.memory_space<vmem>>, vector<1x256xf32>
    %add3A = arith.constant 9.99999974E-6 : f32
    %add3A_13 = vector.broadcast %add3A : f32 to vector<1x256xf32>
    %add3A_14 = arith.addf %sub3A, %add3A_13 : vector<1x256xf32>
    %rsqrt3A = math.rsqrt %add3A_14 : vector<1x256xf32>
    %mul3A_15 = arith.mulf %get3A_12, %rsqrt3A : vector<1x256xf32>
    %get3A_16 = arith.constant 0 : index
    %get3A_17 = arith.constant 0 : index
    %get3A_18 = vector.load %arg9[%get3A_16, %get3A_17] : memref<1x256xf32, #tpu.memory_space<vmem>>, vector<1x256xf32>
    %mul3A_19 = arith.mulf %div3A_3, %mul3A_15 : vector<1x256xf32>
    %sub3A_20 = arith.subf %get3A_18, %mul3A_19 : vector<1x256xf32>
    %get3A_21 = arith.constant 0 : index
    %get3A_22 = arith.constant 0 : index
    %get3A_23 = vector.load %arg6[%get3A_21, %get3A_22] : memref<144x256xbf16, #tpu.memory_space<vmem>>, vector<144x256xbf16>
    %convert_element_type3A = arith.extf %get3A_23 : vector<144x256xbf16> to vector<144x256xf32>
    %mul3A_24 = vector.broadcast %mul3A_15 : vector<1x256xf32> to vector<144x256xf32>
    %mul3A_25 = arith.mulf %convert_element_type3A, %mul3A_24 : vector<144x256xf32>
    %convert_element_type3A_26 = arith.truncf %mul3A_25 : vector<144x256xf32> to vector<144x256xbf16>
    %get3A_27 = arith.constant 0 : index
    %get3A_28 = arith.constant 0 : index
    %get3A_29 = vector.load %arg3[%get3A_27, %get3A_28] : memref<200x128xf32, #tpu.memory_space<vmem>>, vector<200x128xf32>
    %convert_element_type3A_30 = arith.truncf %get3A_29 : vector<200x128xf32> to vector<200x128xbf16>
    %get3A_31 = arith.constant 0 : index
    %get3A_32 = arith.constant 0 : index
    %get3A_33 = vector.load %arg4[%get3A_31, %get3A_32] : memref<128x256xbf16, #tpu.memory_space<vmem>>, vector<128x256xbf16>
    %dot_general3A = arith.constant dense<0.000000e+00> : vector<200x256xf32>
    %dot_general3A_34 = tpu.matmul %convert_element_type3A_30, %get3A_33, %dot_general3A {dimension_numbers = #tpu.dot_dimension_numbers<[1], [0], [0], [1], [0, 0, 1, 1], [], []>, transpose_lhs_hint = false} : vector<200x128xbf16>, vector<128x256xbf16>, vector<200x256xf32> -> vector<200x256xf32>
    %get3A_35 = arith.constant 0 : index
    %get3A_36 = arith.constant 0 : index
    %get3A_37 = vector.load %arg5[%get3A_35, %get3A_36] : memref<1x256xf32, #tpu.memory_space<vmem>>, vector<1x256xf32>
    %add3A_38 = vector.broadcast %get3A_37 : vector<1x256xf32> to vector<200x256xf32>
    %add3A_39 = arith.addf %dot_general3A_34, %add3A_38 : vector<200x256xf32>
    %mul3A_40 = vector.broadcast %mul3A_15 : vector<1x256xf32> to vector<200x256xf32>
    %mul3A_41 = arith.mulf %add3A_39, %mul3A_40 : vector<200x256xf32>
    %add3A_42 = vector.broadcast %sub3A_20 : vector<1x256xf32> to vector<200x256xf32>
    %add3A_43 = arith.addf %mul3A_41, %add3A_42 : vector<200x256xf32>
    %get3A_44 = arith.constant 0 : index
    %get3A_45 = arith.constant 0 : index
    %get3A_46 = vector.load %arg1[%get3A_44, %get3A_45] : memref<6400x128xf32, #tpu.memory_space<vmem>>, vector<6400x128xf32>
    %convert_element_type3A_47 = arith.truncf %get3A_46 : vector<6400x128xf32> to vector<6400x128xbf16>
    %get3A_48 = arith.constant 0 : index
    %get3A_49 = arith.constant 0 : index
    %get3A_50 = vector.load %arg2[%get3A_48, %get3A_49] : memref<6400x16xbf16, #tpu.memory_space<vmem>>, vector<6400x16xbf16>
    %concatenate3A = tpu.concatenate %convert_element_type3A_47, %get3A_50 in 1 : vector<6400x128xbf16>, vector<6400x16xbf16> -> vector<6400x144xbf16>
    %dot_general3A_51 = arith.constant dense<0.000000e+00> : vector<6400x256xf32>
    %dot_general3A_52 = tpu.matmul %concatenate3A, %convert_element_type3A_26, %dot_general3A_51 {dimension_numbers = #tpu.dot_dimension_numbers<[1], [0], [0], [1], [0, 0, 1, 1], [], []>, transpose_lhs_hint = false} : vector<6400x144xbf16>, vector<144x256xbf16>, vector<6400x256xf32> -> vector<6400x256xf32>
    %reshape3A = vector.shape_cast %dot_general3A_52 : vector<6400x256xf32> to vector<200x32x256xf32>
    %broadcast_in_dim3A = vector.shape_cast %add3A_43 : vector<200x256xf32> to vector<200x1x256xf32>
    %add3A_53 = vector.broadcast %broadcast_in_dim3A : vector<200x1x256xf32> to vector<200x32x256xf32>
    %add3A_54 = arith.addf %reshape3A, %add3A_53 : vector<200x32x256xf32>
    %reshape3A_55 = vector.shape_cast %add3A_54 : vector<200x32x256xf32> to vector<6400x256xf32>
    %slice3A = vector.extract_strided_slice %reshape3A_55 {offsets = [0, 0], sizes = [6400, 128], strides = [1, 1]} : vector<6400x256xf32> to vector<6400x128xf32>
    %logistic3A = arith.negf %slice3A : vector<6400x128xf32>
    %logistic3A_56 = math.exp %logistic3A : vector<6400x128xf32>
    %logistic3A_57 = arith.constant 1.000000e+00 : f32
    %logistic3A_58 = vector.broadcast %logistic3A_57 : f32 to vector<6400x128xf32>
    %logistic3A_59 = arith.addf %logistic3A_58, %logistic3A_56 : vector<6400x128xf32>
    %logistic3A_60 = arith.divf %logistic3A_58, %logistic3A_59 : vector<6400x128xf32>
    %slice3A_61 = vector.extract_strided_slice %reshape3A_55 {offsets = [0, 128], sizes = [6400, 128], strides = [1, 1]} : vector<6400x256xf32> to vector<6400x128xf32>
    %mul3A_62 = arith.constant 0.00999999977 : f32
    %mul3A_63 = vector.broadcast %mul3A_62 : f32 to vector<6400x128xf32>
    %mul3A_64 = arith.mulf %mul3A_63, %slice3A_61 : vector<6400x128xf32>
    %max3A = arith.maximumf %slice3A_61, %mul3A_64 : vector<6400x128xf32>
    %mul3A_65 = arith.mulf %logistic3A_60, %max3A : vector<6400x128xf32>
    %reshape3A_66 = vector.shape_cast %mul3A_65 : vector<6400x128xf32> to vector<200x32x128xf32>
    %reduce_sum3A = arith.constant dense<0.000000e+00> : vector<200x128xf32>
    %reduce_sum3A_67 = vector.multi_reduction <add>, %reshape3A_66, %reduce_sum3A [1] : vector<200x32x128xf32> to vector<200x128xf32>
    %swap3A = arith.constant 0 : index
    %swap3A_68 = arith.constant 0 : index
    %swap3A_69 = vector.load %arg10[%swap3A, %swap3A_68] : memref<200x128xf32, #tpu.memory_space<vmem>>, vector<200x128xf32>
    tpu.vector_store %arg10[%swap3A, %swap3A_68], %reduce_sum3A_67 {strides = array<i32>} : memref<200x128xf32, #tpu.memory_space<vmem>>, vector<200x128xf32>,
    %reduce_sum3A_70 = arith.constant dense<0.000000e+00> : vector<128xf32>
    %reduce_sum3A_71 = vector.multi_reduction <add>, %reduce_sum3A_67, %reduce_sum3A_70 [0] : vector<200x128xf32> to vector<128xf32>
    %broadcast_in_dim3A_72 = vector.shape_cast %reduce_sum3A_71 : vector<128xf32> to vector<1x128xf32>
    %mul3A_73 = arith.mulf %reduce_sum3A_67, %reduce_sum3A_67 : vector<200x128xf32>
    %reduce_sum3A_74 = arith.constant dense<0.000000e+00> : vector<128xf32>
    %reduce_sum3A_75 = vector.multi_reduction <add>, %mul3A_73, %reduce_sum3A_74 [0] : vector<200x128xf32> to vector<128xf32>
    %broadcast_in_dim3A_76 = vector.shape_cast %reduce_sum3A_75 : vector<128xf32> to vector<1x128xf32>
    %concatenate3A_77 = tpu.concatenate %broadcast_in_dim3A_72, %broadcast_in_dim3A_76 in 0 : vector<1x128xf32>, vector<1x128xf32> -> vector<2x128xf32>
    %eq3A = arith.constant 0 : i32
    %eq3A_78 = arith.cmpi eq, %arg0, %eq3A : i32
    %convert_element_type3A_79 = arith.extui %eq3A_78 : i1 to i32
    %cond3A = arith.constant 0 : i32
    %cond3A_80 = arith.cmpi ne, %convert_element_type3A_79, %cond3A : i32
    scf.if %cond3A_80 {
      %broadcast_in_dim3A_88 = arith.constant 0.000000e+00 : f32
      %broadcast_in_dim3A_89 = vector.broadcast %broadcast_in_dim3A_88 : f32 to vector<2x128xf32>
      %swap3A_90 = arith.constant 0 : index
      %swap3A_91 = arith.constant 0 : index
      %swap3A_92 = vector.load %arg11[%swap3A_90, %swap3A_91] : memref<2x128xf32, #tpu.memory_space<vmem>>, vector<2x128xf32>
      tpu.vector_store %arg11[%swap3A_90, %swap3A_91], %broadcast_in_dim3A_89 {strides = array<i32>} : memref<2x128xf32, #tpu.memory_space<vmem>>, vector<2x128xf32>,
    } else {
    }
    %get3A_81 = arith.constant 0 : index
    %get3A_82 = arith.constant 0 : index
    %get3A_83 = vector.load %arg11[%get3A_81, %get3A_82] : memref<2x128xf32, #tpu.memory_space<vmem>>, vector<2x128xf32>
    %add3A_84 = arith.addf %get3A_83, %concatenate3A_77 : vector<2x128xf32>
    %swap3A_85 = arith.constant 0 : index
    %swap3A_86 = arith.constant 0 : index
    %swap3A_87 = vector.load %arg11[%swap3A_85, %swap3A_86] : memref<2x128xf32, #tpu.memory_space<vmem>>, vector<2x128xf32>
    tpu.vector_store %arg11[%swap3A_85, %swap3A_86], %add3A_84 {strides = array<i32>} : memref<2x128xf32, #tpu.memory_space<vmem>>, vector<2x128xf32>,
    return
  }
  func.func @transform_0(%arg0: i32) -> (i32, i32) {
    %c0_i32 = arith.constant 0 : i32
    %c0_i32_0 = arith.constant 0 : i32
    return %arg0, %c0_i32 : i32, i32
  }
  func.func @transform_1(%arg0: i32) -> (i32, i32) {
    %add3A = arith.constant 25 : i32
    %add3A_0 = arith.addi %arg0, %add3A : i32
    %c0_i32 = arith.constant 0 : i32
    %c0_i32_1 = arith.constant 0 : i32
    return %add3A_0, %c0_i32 : i32, i32
  }
  func.func @transform_2(%arg0: i32) -> (i32, i32) {
    %add3A = arith.constant 25 : i32
    %add3A_0 = arith.addi %arg0, %add3A : i32
    %c0_i32 = arith.constant 0 : i32
    %c0_i32_1 = arith.constant 0 : i32
    return %add3A_0, %c0_i32 : i32, i32
  }
  func.func @transform_3(%arg0: i32) -> (i32, i32) {
    %c0_i32 = arith.constant 0 : i32
    %c0_i32_0 = arith.constant 0 : i32
    %c0_i32_1 = arith.constant 0 : i32
    return %c0_i32, %c0_i32_0 : i32, i32
  }
  func.func @transform_4(%arg0: i32) -> (i32, i32) {
    %c0_i32 = arith.constant 0 : i32
    %c0_i32_0 = arith.constant 0 : i32
    %c0_i32_1 = arith.constant 0 : i32
    return %c0_i32, %c0_i32_0 : i32, i32
  }
  func.func @transform_5(%arg0: i32) -> (i32, i32) {
    %c0_i32 = arith.constant 0 : i32
    %c0_i32_0 = arith.constant 0 : i32
    %c0_i32_1 = arith.constant 0 : i32
    return %c0_i32, %c0_i32_0 : i32, i32
  }
  func.func @transform_6(%arg0: i32) -> (i32, i32) {
    %c0_i32 = arith.constant 0 : i32
    %c0_i32_0 = arith.constant 0 : i32
    %c0_i32_1 = arith.constant 0 : i32
    return %c0_i32, %c0_i32_0 : i32, i32
  }
  func.func @transform_7(%arg0: i32) -> (i32, i32) {
    %c0_i32 = arith.constant 0 : i32
    %c0_i32_0 = arith.constant 0 : i32
    %c0_i32_1 = arith.constant 0 : i32
    return %c0_i32, %c0_i32_0 : i32, i32
  }
  func.func @transform_8(%arg0: i32) -> (i32, i32) {
    %c0_i32 = arith.constant 0 : i32
    %c0_i32_0 = arith.constant 0 : i32
    %c0_i32_1 = arith.constant 0 : i32
    return %c0_i32, %c0_i32_0 : i32, i32
  }
  func.func @transform_9(%arg0: i32) -> (i32, i32) {
    %c0_i32 = arith.constant 0 : i32
    %c0_i32_0 = arith.constant 0 : i32
    return %arg0, %c0_i32 : i32, i32
  }
  func.func @transform_10(%arg0: i32) -> (i32, i32) {
    %c0_i32 = arith.constant 0 : i32
    %c0_i32_0 = arith.constant 0 : i32
    %c0_i32_1 = arith.constant 0 : i32
    return %c0_i32, %c0_i32_0 : i32, i32
  }
}

module attributes {stable_mosaic.version = 14 : i64} {
  func.func @_gate_body(%arg0: i32, %arg1: memref<6400x128xf32, #tpu.memory_space<vmem>>, %arg2: memref<6400x16xbf16, #tpu.memory_space<vmem>>, %arg3: memref<200x128xf32, #tpu.memory_space<vmem>>, %arg4: memref<128x256xbf16, #tpu.memory_space<vmem>>, %arg5: memref<1x256xf32, #tpu.memory_space<vmem>>, %arg6: memref<144x256xbf16, #tpu.memory_space<vmem>>, %arg7: memref<2x256xf32, #tpu.memory_space<vmem>>, %arg8: memref<1x256xf32, #tpu.memory_space<vmem>>, %arg9: memref<1x256xf32, #tpu.memory_space<vmem>>, %arg10: memref<200x128xf32, #tpu.memory_space<vmem>>, %arg11: memref<2x128xf32, #tpu.memory_space<vmem>>) attributes {dimension_semantics = [#tpu.dimension_semantics<arbitrary>], iteration_bounds = array<i64: 25>, scalar_prefetch = 0 : i64, scratch_operands = 0 : i64, tpu.core_type = #tpu.core_type<tc>, window_params = [{transform_indices = @transform_0, window_bounds = array<i64: 6400, 128>}, {transform_indices = @transform_1, window_bounds = array<i64: 6400, 16>}, {transform_indices = @transform_2, window_bounds = array<i64: 200, 128>}, {pipeline_mode = #tpu.pipeline_mode<synchronous>, transform_indices = @transform_3, window_bounds = array<i64: 128, 256>}, {pipeline_mode = #tpu.pipeline_mode<synchronous>, transform_indices = @transform_4, window_bounds = array<i64: 1, 256>}, {pipeline_mode = #tpu.pipeline_mode<synchronous>, transform_indices = @transform_5, window_bounds = array<i64: 144, 256>}, {pipeline_mode = #tpu.pipeline_mode<synchronous>, transform_indices = @transform_6, window_bounds = array<i64: 2, 256>}, {pipeline_mode = #tpu.pipeline_mode<synchronous>, transform_indices = @transform_7, window_bounds = array<i64: 1, 256>}, {pipeline_mode = #tpu.pipeline_mode<synchronous>, transform_indices = @transform_8, window_bounds = array<i64: 1, 256>}, {transform_indices = @transform_9, window_bounds = array<i64: 200, 128>}, {pipeline_mode = #tpu.pipeline_mode<synchronous>, transform_indices = @transform_10, window_bounds = array<i64: 2, 128>}]} {
    %get3A = arith.constant 0 : index
    %get3A_0 = arith.constant 0 : index
    %get3A_1 = vector.load %arg7[%get3A, %get3A_0] : memref<2x256xf32, #tpu.memory_space<vmem>>, vector<1x256xf32>
    %div3A = arith.constant 3.200000e+05 : f32
    %div3A_2 = vector.broadcast %div3A : f32 to vector<1x256xf32>
    %div3A_3 = arith.divf %get3A_1, %div3A_2 : vector<1x256xf32>
    %get3A_4 = arith.constant 1 : index
    %get3A_5 = arith.constant 0 : index
    %get3A_6 = vector.load %arg7[%get3A_4, %get3A_5] : memref<2x256xf32, #tpu.memory_space<vmem>>, vector<1x256xf32>
    %div3A_7 = arith.constant 3.200000e+05 : f32
    %div3A_8 = vector.broadcast %div3A_7 : f32 to vector<1x256xf32>
    %div3A_9 = arith.divf %get3A_6, %div3A_8 : vector<1x256xf32>
    %mul3A = arith.mulf %div3A_3, %div3A_3 : vector<1x256xf32>
    %sub3A = arith.subf %div3A_9, %mul3A : vector<1x256xf32>
    %get3A_10 = arith.constant 0 : index
    %get3A_11 = arith.constant 0 : index
    %get3A_12 = vector.load %arg8[%get3A_10, %get3A_11] : memref<1x256xf32, #tpu.memory_space<vmem>>, vector<1x256xf32>
    %add3A = arith.constant 9.99999974E-6 : f32
    %add3A_13 = vector.broadcast %add3A : f32 to vector<1x256xf32>
    %add3A_14 = arith.addf %sub3A, %add3A_13 : vector<1x256xf32>
    %rsqrt3A = math.rsqrt %add3A_14 : vector<1x256xf32>
    %mul3A_15 = arith.mulf %get3A_12, %rsqrt3A : vector<1x256xf32>
    %get3A_16 = arith.constant 0 : index
    %get3A_17 = arith.constant 0 : index
    %get3A_18 = vector.load %arg9[%get3A_16, %get3A_17] : memref<1x256xf32, #tpu.memory_space<vmem>>, vector<1x256xf32>
    %mul3A_19 = arith.mulf %div3A_3, %mul3A_15 : vector<1x256xf32>
    %sub3A_20 = arith.subf %get3A_18, %mul3A_19 : vector<1x256xf32>
    %get3A_21 = arith.constant 0 : index
    %get3A_22 = arith.constant 0 : index
    %get3A_23 = vector.load %arg6[%get3A_21, %get3A_22] : memref<144x256xbf16, #tpu.memory_space<vmem>>, vector<144x256xbf16>
    %convert_element_type3A = arith.extf %get3A_23 : vector<144x256xbf16> to vector<144x256xf32>
    %mul3A_24 = vector.broadcast %mul3A_15 : vector<1x256xf32> to vector<144x256xf32>
    %mul3A_25 = arith.mulf %convert_element_type3A, %mul3A_24 : vector<144x256xf32>
    %convert_element_type3A_26 = arith.truncf %mul3A_25 : vector<144x256xf32> to vector<144x256xbf16>
    %get3A_27 = arith.constant 0 : index
    %get3A_28 = arith.constant 0 : index
    %get3A_29 = vector.load %arg3[%get3A_27, %get3A_28] : memref<200x128xf32, #tpu.memory_space<vmem>>, vector<200x128xf32>
    %convert_element_type3A_30 = arith.truncf %get3A_29 : vector<200x128xf32> to vector<200x128xbf16>
    %get3A_31 = arith.constant 0 : index
    %get3A_32 = arith.constant 0 : index
    %get3A_33 = vector.load %arg4[%get3A_31, %get3A_32] : memref<128x256xbf16, #tpu.memory_space<vmem>>, vector<128x256xbf16>
    %dot_general3A = arith.constant dense<0.000000e+00> : vector<200x256xf32>
    %dot_general3A_34 = tpu.matmul %convert_element_type3A_30, %get3A_33, %dot_general3A {dimension_numbers = #tpu.dot_dimension_numbers<[1], [0], [0], [1], [0, 0, 1, 1], [], []>, transpose_lhs_hint = false} : vector<200x128xbf16>, vector<128x256xbf16>, vector<200x256xf32> -> vector<200x256xf32>
    %get3A_35 = arith.constant 0 : index
    %get3A_36 = arith.constant 0 : index
    %get3A_37 = vector.load %arg5[%get3A_35, %get3A_36] : memref<1x256xf32, #tpu.memory_space<vmem>>, vector<1x256xf32>
    %add3A_38 = vector.broadcast %get3A_37 : vector<1x256xf32> to vector<200x256xf32>
    %add3A_39 = arith.addf %dot_general3A_34, %add3A_38 : vector<200x256xf32>
    %mul3A_40 = vector.broadcast %mul3A_15 : vector<1x256xf32> to vector<200x256xf32>
    %mul3A_41 = arith.mulf %add3A_39, %mul3A_40 : vector<200x256xf32>
    %add3A_42 = vector.broadcast %sub3A_20 : vector<1x256xf32> to vector<200x256xf32>
    %add3A_43 = arith.addf %mul3A_41, %add3A_42 : vector<200x256xf32>
    %get3A_44 = arith.constant 0 : index
    %get3A_45 = arith.constant 0 : index
    %get3A_46 = vector.load %arg1[%get3A_44, %get3A_45] : memref<6400x128xf32, #tpu.memory_space<vmem>>, vector<6400x128xf32>
    %convert_element_type3A_47 = arith.truncf %get3A_46 : vector<6400x128xf32> to vector<6400x128xbf16>
    %get3A_48 = arith.constant 0 : index
    %get3A_49 = arith.constant 0 : index
    %get3A_50 = vector.load %arg2[%get3A_48, %get3A_49] : memref<6400x16xbf16, #tpu.memory_space<vmem>>, vector<6400x16xbf16>
    %concatenate3A = tpu.concatenate %convert_element_type3A_47, %get3A_50 in 1 : vector<6400x128xbf16>, vector<6400x16xbf16> -> vector<6400x144xbf16>
    %dot_general3A_51 = arith.constant dense<0.000000e+00> : vector<6400x256xf32>
    %dot_general3A_52 = tpu.matmul %concatenate3A, %convert_element_type3A_26, %dot_general3A_51 {dimension_numbers = #tpu.dot_dimension_numbers<[1], [0], [0], [1], [0, 0, 1, 1], [], []>, transpose_lhs_hint = false} : vector<6400x144xbf16>, vector<144x256xbf16>, vector<6400x256xf32> -> vector<6400x256xf32>
    %reshape3A = vector.shape_cast %dot_general3A_52 : vector<6400x256xf32> to vector<200x32x256xf32>
    %broadcast_in_dim3A = vector.shape_cast %add3A_43 : vector<200x256xf32> to vector<200x1x256xf32>
    %add3A_53 = vector.broadcast %broadcast_in_dim3A : vector<200x1x256xf32> to vector<200x32x256xf32>
    %add3A_54 = arith.addf %reshape3A, %add3A_53 : vector<200x32x256xf32>
    %reshape3A_55 = vector.shape_cast %add3A_54 : vector<200x32x256xf32> to vector<6400x256xf32>
    %slice3A = vector.extract_strided_slice %reshape3A_55 {offsets = [0, 0], sizes = [6400, 128], strides = [1, 1]} : vector<6400x256xf32> to vector<6400x128xf32>
    %logistic3A = arith.negf %slice3A : vector<6400x128xf32>
    %logistic3A_56 = math.exp %logistic3A : vector<6400x128xf32>
    %logistic3A_57 = arith.constant 1.000000e+00 : f32
    %logistic3A_58 = vector.broadcast %logistic3A_57 : f32 to vector<6400x128xf32>
    %logistic3A_59 = arith.addf %logistic3A_58, %logistic3A_56 : vector<6400x128xf32>
    %logistic3A_60 = arith.divf %logistic3A_58, %logistic3A_59 : vector<6400x128xf32>
    %slice3A_61 = vector.extract_strided_slice %reshape3A_55 {offsets = [0, 128], sizes = [6400, 128], strides = [1, 1]} : vector<6400x256xf32> to vector<6400x128xf32>
    %mul3A_62 = arith.constant 0.00999999977 : f32
    %mul3A_63 = vector.broadcast %mul3A_62 : f32 to vector<6400x128xf32>
    %mul3A_64 = arith.mulf %mul3A_63, %slice3A_61 : vector<6400x128xf32>
    %max3A = arith.maximumf %slice3A_61, %mul3A_64 : vector<6400x128xf32>
    %mul3A_65 = arith.mulf %logistic3A_60, %max3A : vector<6400x128xf32>
    %reshape3A_66 = vector.shape_cast %mul3A_65 : vector<6400x128xf32> to vector<200x32x128xf32>
    %reduce_sum3A = arith.constant dense<0.000000e+00> : vector<200x128xf32>
    %reduce_sum3A_67 = vector.multi_reduction <add>, %reshape3A_66, %reduce_sum3A [1] : vector<200x32x128xf32> to vector<200x128xf32>
    %swap3A = arith.constant 0 : index
    %swap3A_68 = arith.constant 0 : index
    %swap3A_69 = vector.load %arg10[%swap3A, %swap3A_68] : memref<200x128xf32, #tpu.memory_space<vmem>>, vector<200x128xf32>
    tpu.vector_store %arg10[%swap3A, %swap3A_68], %reduce_sum3A_67 {strides = array<i32>} : memref<200x128xf32, #tpu.memory_space<vmem>>, vector<200x128xf32>,
    %reduce_sum3A_70 = arith.constant dense<0.000000e+00> : vector<128xf32>
    %reduce_sum3A_71 = vector.multi_reduction <add>, %reduce_sum3A_67, %reduce_sum3A_70 [0] : vector<200x128xf32> to vector<128xf32>
    %broadcast_in_dim3A_72 = vector.shape_cast %reduce_sum3A_71 : vector<128xf32> to vector<1x128xf32>
    %mul3A_73 = arith.mulf %reduce_sum3A_67, %reduce_sum3A_67 : vector<200x128xf32>
    %reduce_sum3A_74 = arith.constant dense<0.000000e+00> : vector<128xf32>
    %reduce_sum3A_75 = vector.multi_reduction <add>, %mul3A_73, %reduce_sum3A_74 [0] : vector<200x128xf32> to vector<128xf32>
    %broadcast_in_dim3A_76 = vector.shape_cast %reduce_sum3A_75 : vector<128xf32> to vector<1x128xf32>
    %concatenate3A_77 = tpu.concatenate %broadcast_in_dim3A_72, %broadcast_in_dim3A_76 in 0 : vector<1x128xf32>, vector<1x128xf32> -> vector<2x128xf32>
    %eq3A = arith.constant 0 : i32
    %eq3A_78 = arith.cmpi eq, %arg0, %eq3A : i32
    %convert_element_type3A_79 = arith.extui %eq3A_78 : i1 to i32
    %cond3A = arith.constant 0 : i32
    %cond3A_80 = arith.cmpi ne, %convert_element_type3A_79, %cond3A : i32
    scf.if %cond3A_80 {
      %broadcast_in_dim3A_88 = arith.constant 0.000000e+00 : f32
      %broadcast_in_dim3A_89 = vector.broadcast %broadcast_in_dim3A_88 : f32 to vector<2x128xf32>
      %swap3A_90 = arith.constant 0 : index
      %swap3A_91 = arith.constant 0 : index
      %swap3A_92 = vector.load %arg11[%swap3A_90, %swap3A_91] : memref<2x128xf32, #tpu.memory_space<vmem>>, vector<2x128xf32>
      tpu.vector_store %arg11[%swap3A_90, %swap3A_91], %broadcast_in_dim3A_89 {strides = array<i32>} : memref<2x128xf32, #tpu.memory_space<vmem>>, vector<2x128xf32>,
    } else {
    }
    %get3A_81 = arith.constant 0 : index
    %get3A_82 = arith.constant 0 : index
    %get3A_83 = vector.load %arg11[%get3A_81, %get3A_82] : memref<2x128xf32, #tpu.memory_space<vmem>>, vector<2x128xf32>
    %add3A_84 = arith.addf %get3A_83, %concatenate3A_77 : vector<2x128xf32>
    %swap3A_85 = arith.constant 0 : index
    %swap3A_86 = arith.constant 0 : index
    %swap3A_87 = vector.load %arg11[%swap3A_85, %swap3A_86] : memref<2x128xf32, #tpu.memory_space<vmem>>, vector<2x128xf32>
    tpu.vector_store %arg11[%swap3A_85, %swap3A_86], %add3A_84 {strides = array<i32>} : memref<2x128xf32, #tpu.memory_space<vmem>>, vector<2x128xf32>,
    return
  }
  func.func @transform_0(%arg0: i32) -> (i32, i32) {
    %c0_i32 = arith.constant 0 : i32
    %c0_i32_0 = arith.constant 0 : i32
    return %arg0, %c0_i32 : i32, i32
  }
  func.func @transform_1(%arg0: i32) -> (i32, i32) {
    %add3A = arith.constant 0 : i32
    %add3A_0 = arith.addi %arg0, %add3A : i32
    %c0_i32 = arith.constant 0 : i32
    %c0_i32_1 = arith.constant 0 : i32
    return %add3A_0, %c0_i32 : i32, i32
  }
  func.func @transform_2(%arg0: i32) -> (i32, i32) {
    %add3A = arith.constant 0 : i32
    %add3A_0 = arith.addi %arg0, %add3A : i32
    %c0_i32 = arith.constant 0 : i32
    %c0_i32_1 = arith.constant 0 : i32
    return %add3A_0, %c0_i32 : i32, i32
  }
  func.func @transform_3(%arg0: i32) -> (i32, i32) {
    %c0_i32 = arith.constant 0 : i32
    %c0_i32_0 = arith.constant 0 : i32
    %c0_i32_1 = arith.constant 0 : i32
    return %c0_i32, %c0_i32_0 : i32, i32
  }
  func.func @transform_4(%arg0: i32) -> (i32, i32) {
    %c0_i32 = arith.constant 0 : i32
    %c0_i32_0 = arith.constant 0 : i32
    %c0_i32_1 = arith.constant 0 : i32
    return %c0_i32, %c0_i32_0 : i32, i32
  }
  func.func @transform_5(%arg0: i32) -> (i32, i32) {
    %c0_i32 = arith.constant 0 : i32
    %c0_i32_0 = arith.constant 0 : i32
    %c0_i32_1 = arith.constant 0 : i32
    return %c0_i32, %c0_i32_0 : i32, i32
  }
  func.func @transform_6(%arg0: i32) -> (i32, i32) {
    %c0_i32 = arith.constant 0 : i32
    %c0_i32_0 = arith.constant 0 : i32
    %c0_i32_1 = arith.constant 0 : i32
    return %c0_i32, %c0_i32_0 : i32, i32
  }
  func.func @transform_7(%arg0: i32) -> (i32, i32) {
    %c0_i32 = arith.constant 0 : i32
    %c0_i32_0 = arith.constant 0 : i32
    %c0_i32_1 = arith.constant 0 : i32
    return %c0_i32, %c0_i32_0 : i32, i32
  }
  func.func @transform_8(%arg0: i32) -> (i32, i32) {
    %c0_i32 = arith.constant 0 : i32
    %c0_i32_0 = arith.constant 0 : i32
    %c0_i32_1 = arith.constant 0 : i32
    return %c0_i32, %c0_i32_0 : i32, i32
  }
  func.func @transform_9(%arg0: i32) -> (i32, i32) {
    %c0_i32 = arith.constant 0 : i32
    %c0_i32_0 = arith.constant 0 : i32
    return %arg0, %c0_i32 : i32, i32
  }
  func.func @transform_10(%arg0: i32) -> (i32, i32) {
    %c0_i32 = arith.constant 0 : i32
    %c0_i32_0 = arith.constant 0 : i32
    %c0_i32_1 = arith.constant 0 : i32
    return %c0_i32, %c0_i32_0 : i32, i32
  }
}

module attributes {stable_mosaic.version = 14 : i64} {
  func.func @_final_body(%arg0: memref<10000x128xf32, #tpu.memory_space<vmem>>, %arg1: memref<10000x128xf32, #tpu.memory_space<vmem>>, %arg2: memref<2x128xf32, #tpu.memory_space<vmem>>, %arg3: memref<1x128xf32, #tpu.memory_space<vmem>>, %arg4: memref<1x128xf32, #tpu.memory_space<vmem>>, %arg5: memref<10000x128xf32, #tpu.memory_space<vmem>>) attributes {dimension_semantics = [], scalar_prefetch = 0 : i64, scratch_operands = 0 : i64, tpu.core_type = #tpu.core_type<tc>} {
    %get3A = arith.constant 0 : index
    %get3A_0 = arith.constant 0 : index
    %get3A_1 = vector.load %arg2[%get3A, %get3A_0] : memref<2x128xf32, #tpu.memory_space<vmem>>, vector<1x128xf32>
    %div3A = arith.constant 1.000000e+04 : f32
    %div3A_2 = vector.broadcast %div3A : f32 to vector<1x128xf32>
    %div3A_3 = arith.divf %get3A_1, %div3A_2 : vector<1x128xf32>
    %get3A_4 = arith.constant 1 : index
    %get3A_5 = arith.constant 0 : index
    %get3A_6 = vector.load %arg2[%get3A_4, %get3A_5] : memref<2x128xf32, #tpu.memory_space<vmem>>, vector<1x128xf32>
    %div3A_7 = arith.constant 1.000000e+04 : f32
    %div3A_8 = vector.broadcast %div3A_7 : f32 to vector<1x128xf32>
    %div3A_9 = arith.divf %get3A_6, %div3A_8 : vector<1x128xf32>
    %mul3A = arith.mulf %div3A_3, %div3A_3 : vector<1x128xf32>
    %sub3A = arith.subf %div3A_9, %mul3A : vector<1x128xf32>
    %get3A_10 = arith.constant 0 : index
    %get3A_11 = arith.constant 0 : index
    %get3A_12 = vector.load %arg3[%get3A_10, %get3A_11] : memref<1x128xf32, #tpu.memory_space<vmem>>, vector<1x128xf32>
    %add3A = arith.constant 9.99999974E-6 : f32
    %add3A_13 = vector.broadcast %add3A : f32 to vector<1x128xf32>
    %add3A_14 = arith.addf %sub3A, %add3A_13 : vector<1x128xf32>
    %rsqrt3A = math.rsqrt %add3A_14 : vector<1x128xf32>
    %mul3A_15 = arith.mulf %get3A_12, %rsqrt3A : vector<1x128xf32>
    %get3A_16 = arith.constant 0 : index
    %get3A_17 = arith.constant 0 : index
    %get3A_18 = vector.load %arg4[%get3A_16, %get3A_17] : memref<1x128xf32, #tpu.memory_space<vmem>>, vector<1x128xf32>
    %mul3A_19 = arith.mulf %div3A_3, %mul3A_15 : vector<1x128xf32>
    %sub3A_20 = arith.subf %get3A_18, %mul3A_19 : vector<1x128xf32>
    %get3A_21 = arith.constant 0 : index
    %get3A_22 = arith.constant 0 : index
    %get3A_23 = vector.load %arg0[%get3A_21, %get3A_22] : memref<10000x128xf32, #tpu.memory_space<vmem>>, vector<10000x128xf32>
    %get3A_24 = arith.constant 0 : index
    %get3A_25 = arith.constant 0 : index
    %get3A_26 = vector.load %arg1[%get3A_24, %get3A_25] : memref<10000x128xf32, #tpu.memory_space<vmem>>, vector<10000x128xf32>
    %mul3A_27 = vector.broadcast %mul3A_15 : vector<1x128xf32> to vector<10000x128xf32>
    %mul3A_28 = arith.mulf %get3A_26, %mul3A_27 : vector<10000x128xf32>
    %add3A_29 = arith.addf %get3A_23, %mul3A_28 : vector<10000x128xf32>
    %add3A_30 = vector.broadcast %sub3A_20 : vector<1x128xf32> to vector<10000x128xf32>
    %add3A_31 = arith.addf %add3A_29, %add3A_30 : vector<10000x128xf32>
    %mul3A_32 = arith.constant 0.00999999977 : f32
    %mul3A_33 = vector.broadcast %mul3A_32 : f32 to vector<10000x128xf32>
    %mul3A_34 = arith.mulf %mul3A_33, %add3A_31 : vector<10000x128xf32>
    %max3A = arith.maximumf %add3A_31, %mul3A_34 : vector<10000x128xf32>
    %swap3A = arith.constant 0 : index
    %swap3A_35 = arith.constant 0 : index
    %swap3A_36 = vector.load %arg5[%swap3A, %swap3A_35] : memref<10000x128xf32, #tpu.memory_space<vmem>>, vector<10000x128xf32>
    tpu.vector_store %arg5[%swap3A, %swap3A_35], %max3A {strides = array<i32>} : memref<10000x128xf32, #tpu.memory_space<vmem>>, vector<10000x128xf32>,
    return
  }
}

</mosaic_0001>

<sc_bundles>
// kernel: kernel.12.cloned.1.call-start
scs
__scs_entry_jumppad:
0x0: {  	(pc) =	sbr.rel $0x88, $3  }
0x1: {  	(tag) =	ssettag $0x0;
	lr =	simm.s32 $0x1  }
0x2: {  	[smem:$0x3F98] =	sst lr;
	_ =	strace $0xD0000000  }
0x3: {  	_ = 	snop  }
0x4: {  	_ = 	snop  }
0x5: {  	_ = 	snop  }
0x6: {  	_ = 	snop  }
0x7: {  	_ = 	snop  }
__scs_overlays_trampoline_lowered:
0x8: {  	[smem:$0x3FA7] =	sst s0  }
0x9: {  	[smem:$0x3FA8] =	sst s1  }
0xa: {  	[smem:$0x3FA9] =	sst s2  }
0xb: {  	[smem:$0x3FAA] =	sst s3  }
0xc: {  	[smem:$0x3FAB] =	sst s4  }
0xd: {  	[smem:$0x3FAC] =	sst s5  }
0xe: {  	[smem:$0x3FAD] =	sst s6  }
0xf: {  	[smem:$0x3FAE] =	sst s7  }
0x10: {  	[smem:$0x3FAF] =	sst s8  }
0x11: {  	[smem:$0x3FB0] =	sst s9;
	s0 =	simm.s32 @!p0 $0x0  }
0x12: {  	s1 =	sld [smem:$0x3F96];
	s0 =	simm.s32 @p0 $0x1  }
0x13: {  	[smem:$0x3FB1] =	sst s0;
	s0 =	simm.s32 @!p1 $0x0  }
0x14: {  	s2 =	sld [smem:$0x3F95];
	s0 =	simm.s32 @p1 $0x1  }
0x15: {  	[smem:$0x3FB2] =	sst s0;
	s0 =	simm.s32 @!p2 $0x0  }
0x16: {  	s3 =	sld [smem:$0x3FDB];
	s0 =	simm.s32 @p2 $0x1  }
0x17: {  	s4 =	simm.s32 $0x1BF5;
	[smem:$0x3FB4] =	sst s0  }
0x18: {  	s0 =	sld [smem:$0x3F97];
	_ =	swait.ge [sflag:s4], $0x0  }
0x19: {  	s7 =	sld [smem:$0x3F98]  }
0x1a: {  	s8 =	sadd.s32 $0xFFFFE003, lr  }
0x1b: {  	s9 =	sadd.s32 $0xFFFFFEF7, lr;
	s5 =	simm.s32 $0xFFFFFFFF;
	p2 =	slt.u32 s8, $0xFFFFF086  }
0x1c: {  	p1 =	slt.u32 s9, $0xF7A;
	s5 =	simm.s32 @!p2 $0x0  }
0x1d: {  	s5 =	simm.s32 @p1 $0x1;
	p0 =	seq.s32 s7, s2  }
0x1e: {  	s7 =	smul.u32 @!p0 $0xF7A, s2;
	p2 =	seq.s32 @!p0 s5, $0x0  }
0x1f: {  	s9 =	smul.u32 $0xF7A, s1;
	s8 =	simm.s32 @!p0 $0x1BF5;
	p2 =	por !p2, p0  }
0x20: {  	[sflag:s8] =	ssyncset.s32 @!p0 $0xFFFFF086;
	s6 =	sadd.s32 @!p0 s3, s7;
	s7 =	simm.s32 @!p0 $0x108  }
0x21: {  	s3 =	sadd.s32 s3, s9;
	s6 =	sadd.s32 @!p0 $0x88, s6;
	s7 =	simm.s32 @p2 $0x1082  }
0x22: {  	[simem:s7], [sflag:s8] =	dma.local @!p0 [hbm:s6], $0xF7A  }
0x23: {  	s9 =	sor.u32 $0xD0000000, s2;
	s6 =	simm.s32 $0x108;
	_ =	swait.ge @!p0 [sflag:s8], $0x0  }
0x24: {  	s3 =	sadd.s32 $0x88, s3;
	s6 =	simm.s32 @!p1 $0x1082;
	[sflag:s4] =	ssyncset.s32 $0xFFFFF086  }
0x25: {  	[simem:s6], [sflag:s4] =	dma.local [hbm:s3], $0xF7A  }
0x26: {  	[smem:$0x3F98] =	sst s1;
	(tag) =	ssettag s2;
	_ =	strace s9  }
0x27: {  	s1 =	sld [smem:$0x3FA8]  }
0x28: {  	s2 =	sld [smem:$0x3FA9]  }
0x29: {  	s4 =	sld [smem:$0x3FAB]  }
0x2a: {  	p0 =	seq.s32 s5, $0x0;
	s5 =	sld [smem:$0x3FAC]  }
0x2b: {  	s6 =	sld [smem:$0x3FAD]  }
0x2c: {  	s7 =	sld [smem:$0x3FAE]  }
0x2d: {  	s3 =	simm.s32 $0x108;
	s8 =	sld [smem:$0x3FAF]  }
0x2e: {  	s3 =	simm.s32 @!p0 $0x1082;
	s9 =	sld [smem:$0x3FB0]  }
0x2f: {  	lr =	sadd.s32 s0, s3;
	s0 =	sld [smem:$0x3FA7]  }
0x30: {  	s3 =	sld [smem:$0x3FAA]  }
0x31: {  	[smem:$0x3FB3] =	sst s10  }
0x32: {  	s10 =	sld [smem:$0x3FB1];
	_ =	sdelay $0x3  }
0x33: {  	p0 =	seq.s32 s10, $0x1;
	s10 =	sld [smem:$0x3FB3];
	_ =	sdelay $0x3  }
0x34: {  	[smem:$0x3FB3] =	sst s10  }
0x35: {  	s10 =	sld [smem:$0x3FB2];
	_ =	sdelay $0x3  }
0x36: {  	p1 =	seq.s32 s10, $0x1;
	s10 =	sld [smem:$0x3FB3];
	_ =	sdelay $0x3  }
0x37: {  	[smem:$0x3FB3] =	sst s10  }
0x38: {  	s10 =	sld [smem:$0x3FB4]  }
0x39: {  	_ = 	snop;
	(pc) =	sbr.ind lr, $3  }
0x3a: {  	_ = 	snop  }
0x3b: {  	_ = 	snop  }
0x3c: {  	p2 =	seq.s32 s10, $0x1;
	s10 =	sld [smem:$0x3FB3]  }
0x3d: {  	_ =	shalt  }
0x3e: {  	_ =	shalt  }
0x3f: {  	_ =	shalt  }
0x40: {  	_ =	shalt  }
0x41: {  	_ =	shalt  }
0x42: {  	_ =	shalt  }
0x43: {  	_ =	shalt  }
0x44: {  	_ =	shalt  }
0x45: {  	_ =	shalt  }
0x46: {  	_ =	shalt  }
0x47: {  	_ =	shalt  }
0x48: {  	_ =	shalt  }
0x49: {  	_ =	shalt  }
0x4a: {  	_ =	shalt  }
0x4b: {  	_ =	shalt  }
0x4c: {  	_ =	shalt  }
0x4d: {  	_ =	shalt  }
0x4e: {  	_ =	shalt  }
0x4f: {  	_ =	shalt  }
0x50: {  	_ =	shalt  }
0x51: {  	_ =	shalt  }
0x52: {  	_ =	shalt  }
0x53: {  	_ =	shalt  }
0x54: {  	_ =	shalt  }
0x55: {  	_ =	shalt  }
0x56: {  	_ =	shalt  }
0x57: {  	_ =	shalt  }
0x58: {  	_ =	shalt  }
0x59: {  	_ =	shalt  }
0x5a: {  	_ =	shalt  }
0x5b: {  	_ =	shalt  }
0x5c: {  	_ =	shalt  }
0x5d: {  	_ =	shalt  }
0x5e: {  	_ =	shalt  }
0x5f: {  	_ =	shalt  }
0x60: {  	_ =	shalt  }
0x61: {  	_ =	shalt  }
0x62: {  	_ =	shalt  }
0x63: {  	_ =	shalt  }
0x64: {  	_ =	shalt  }
0x65: {  	_ =	shalt  }
0x66: {  	_ =	shalt  }
0x67: {  	_ =	shalt  }
0x68: {  	_ =	shalt  }
0x69: {  	_ =	shalt  }
0x6a: {  	_ =	shalt  }
0x6b: {  	_ =	shalt  }
0x6c: {  	_ =	shalt  }
0x6d: {  	_ =	shalt  }
0x6e: {  	_ =	shalt  }
0x6f: {  	_ =	shalt  }
0x70: {  	_ =	shalt  }
0x71: {  	_ =	shalt  }
0x72: {  	_ =	shalt  }
0x73: {  	_ =	shalt  }
0x74: {  	_ =	shalt  }
0x75: {  	_ =	shalt  }
0x76: {  	_ =	shalt  }
0x77: {  	_ =	shalt  }
0x78: {  	_ =	shalt  }
0x79: {  	_ =	shalt  }
0x7a: {  	_ =	shalt  }
0x7b: {  	_ =	shalt  }
0x7c: {  	_ =	shalt  }
0x7d: {  	_ =	shalt  }
0x7e: {  	_ =	shalt  }
0x7f: {  	_ =	shalt  }
0x80: {  	_ =	shalt  }
0x81: {  	_ =	shalt  }
0x82: {  	_ =	shalt  }
0x83: {  	_ =	shalt  }
0x84: {  	_ =	shalt  }
0x85: {  	_ =	shalt  }
0x86: {  	_ =	shalt  }
0x87: {  	_ =	shalt  }
.Lfunc_end0:
.L_simem_size_0:
called_computation.1_lowered:
.L_overlay_start_0:
0x88: {  	s2 =	sld [smem:$0x3FD9]  }
0x89: {  	s3 =	sld [smem:$0x3FFE];
	_ =	sdelay $0x1  }
0x8a: {  	s1 =	srdreg.scid  }
0x8b: {  	s0 =	sand.u32 $0x1, s1  }
0x8c: {  	s17 =	sshll.u32 s0, $0xA;
	s2 =	sadd.s32 s3, s2  }
0x8d: {  	s2 =	sadd.s32 s2, s17  }
0x8e: {  	[smem:$0x3FBF] =	sst s2  }
0x8f: {  	_ = 	snop  }
0x90: {  	s2 =	sld [smem:$0x3FC9]  }
0x91: {  	s18 =	sld [smem:$0x3FD0];
	(tm) =	ssettm $0x1  }
0x92: {  	s4 =	sld [smem:$0x3FFB];
	_ =	sdelay $0x3  }
0x93: {  	_ =	strace s4  }
0x94: {  	s4 =	sld [smem:$0x3FFC];
	_ =	sdelay $0x3  }
0x95: {  	_ =	strace s4  }
0x96: {  	s4 =	sld [smem:$0x3FFD];
	_ =	sdelay $0x3  }
0x97: {  	_ =	strace s4  }
0x98: {  	_ =	strace $0x8FFFFFFF  }
0x99: {  	s19 =	sld [smem:$0x3FDB];
	_ =	sdelay $0x1  }
0x9a: {  	s5 =	simm.s32 $_scs_section_size  }
0x9b: {  	s6 =	simm.s32 $_size__tile_overlayer_lowered;
	s7 =	simm.s32 $_tile_overlayer_lowered  }
0x9c: {  	s22 =	simm.s32 $0x1BFF;
	s21 =	sshll.u32 s7, $0x1;
	s4 =	sadd.s32 s5, s19  }
0x9d: {  	s8 =	simm.s32 $0x0;
	s20 =	sshll.u32 s6, $0x1;
	s6 =	sadd.s32 s21, s4  }
0x9e: {  	[timem:s8], [sflag:s22] =	dma.local [hbm:s6], s20  }
0x9f: {  	_ =	swait.ge [sflag:s22], s20  }
0xa0: {  	s5 =	ssub.s32 $0x0, s20;
	[sflag:s22] =	ssyncset.done $0x0  }
0xa1: {  	[sflag:s22] =	ssyncadd.s32 s5;
	_ =	sdelay $0x1  }
0xa2: {  	s23 =	simm.s32 $0x1B8B  }
0xa3: {  	_ =	swait.ge [sflag:s23], $0x1  }
0xa4: {  	[sflag:s23] =	ssyncset.done $0x0  }
0xa5: {  	s25 =	simm.s32 $0x1B8E;
	s24 =	sld [smem:$0x3FFE];
	[sflag:s23] =	ssyncadd.s32 $0xFFFFFFFF  }
0xa6: {  	s26 =	simm.s32 $execute0_lowered;
	[smem:$0x3FD2] =	sst s25  }
0xa7: {  	s6 =	sshll.u32 s26, $0x1;
	_ =	strace $0x80000046;
	[dreg:$0x1] =	wrdreg $0xFFFFFFFF  }
0xa8: {  	s28 =	simm.s32 $_size_execute0_lowered;
	s4 =	sadd.s32 s4, s6;
	[dreg:$0x0] =	wrdreg $0x0  }
0xa9: {  	s6 =	sshll.u32 s28, $0x1;
	[dreg:$0x2] =	wrdreg s4  }
0xaa: {  	[dreg:$0x3] =	wrdreg s6  }
0xab: {  	[dreg:$0x4] =	wrdreg $0xC0  }
0xac: {  	_ =	task [dreg:s8], $0x5FFFF  }
0xad: {  	[dreg:$0x1] =	wrdreg $0xFFFFFFFF  }
0xae: {  	[dreg:$0x0] =	wrdreg $0x60  }
0xaf: {  	[dreg:$0x2] =	wrdreg s2  }
0xb0: {  	[dreg:$0x3] =	wrdreg s18  }
0xb1: {  	[dreg:$0x4] =	wrdreg s24  }
0xb2: {  	[dreg:$0x5] =	wrdreg $0x3C000  }
0xb3: {  	[dreg:$0x6] =	wrdreg $0xA  }
0xb4: {  	_ =	task.clear_ibuf [dreg:s8], $0x7FFFF;
	_ =	strace $0x90000046  }
0xb5: {  	s29 =	simm.s32 $0xA;
	_ =	strace $0x80000048  }
0xb6: {  	_ =	swait.ge [sflag:s29], $0x1  }
0xb7: {  	[sflag:s29] =	ssyncadd.s32 $0xFFFFFFFF  }
0xb8: {  	_ =	strace $0x90000048  }
0xb9: {  	_ =	sfence  }
0xba: {  	s30 =	sld [smem:$0x0];
	_ =	sdelay $0x2  }
0xbb: {  	s31 =	sshll.u32 s1, $0xD;
	s1 =	sshrl.u32 s1, $0x2  }
0xbc: {  	s3 =	sand.u32 $0x4000, s31;
	s1 =	sadd.s32 s1, s30  }
0xbd: {  	s0 =	sor.u32 s3, s0;
	s1 =	sshll.u32 s1, $0x11  }
0xbe: {  	s0 =	sor.u32 s1, s0  }
0xbf: {  	s0 =	sadd.s32 $0x8F2B, s0  }
0xc0: {  	[sflag:s0] =	ssyncadd.remote.s32 $0x1  }
0xc1: {  	_ =	sfence.sel $0xFFFF  }
0xc2: {  	[dreg:$0x0] =	wrdreg $0xFFFFFFFF;
	(pc) =	sbr.abs _section_cstart, $3  }
0xc3: {  	[dreg:$0x1] =	wrdreg $0xFFFFFFFF  }
0xc4: {  	_ =	task.clear_ibuf [dreg:s8], $0x2FFFF;
	_ =	strace $0x9FFFFFFF  }
0xc5: {  	(tm) =	ssettm $0x7FFFFFFF  }
tec
execute0_lowered:
.L_overlay_start_1:
0x0: {  	(tag) =	ssettag $0x1  }
0x1: {  	s0 =	rddreg [dreg:$0x0]  }
0x2: {  	s4 =	rddreg [dreg:$0x1]  }
0x3: {  	s5 =	rddreg [dreg:$0x2];
	s1 =	srdreg.scid  }
0x4: {  	s9 =	stileid.u32;
	s2 =	rddreg [dreg:$0x3];
	s3 =	simm.s32 $0x0  }
0x5: {  	s14 =	simm.s32 $0x2800;
	s15 =	simm.s32 $0x1;
	s16 =	simm.s32 $0x2  }
0x6: {  	s17 =	simm.s32 $0x3;
	s18 =	simm.s32 $0x4;
	s19 =	simm.s32 $0x1360  }
0x7: {  	s20 =	simm.s32 $0x0;
	s8 =	sand.u32 $0x1, s1;
	s1 =	rddreg [dreg:$0x4]  }
0x8: {  	s6 =	sshll.u32 s9, $0x1;
	[smem:$0x7FF] =	sst s3;
	s12 =	smul.u32 $0x27100, s9  }
0x9: {  	s11 =	sadd.s32 $0x2400, s5;
	s6 =	sor.u32 s8, s6;
	s13 =	smul.u32 $0x13880, s8  }
0xa: {  	p0 =	sne.s32 s9, $0x0;
	s10 =	ssub.s32 $0x2, s8;
	s7 =	smul.u32 $0x9C400, s6  }
0xb: {  	_ =	strace $0x80000047;
	s6 =	smul.u32 $0x1388, s6;
	s29 =	sshrl.u32 s10, $0x1  }
0xc: {  	s31 =	sadd.s32 s12, s11;
	s12 =	simm.s32 $0x28;
	s10 =	ssub.s32 s10, s29  }
0xd: {  	s9 =	sadd.s32 s13, s31;
	s13 =	simm.s32 $0x1400;
	s7 =	sshrl.u32 s7, $0x3  }
0xe: {  	s30 =	sshrl.u32 s6, $0x3;
	s8 =	smax.u32 s10, $0x1;
	s10 =	sshrl.u32 @!p0 s2, $0x3  }
0xf: {  	s7 =	sadd.s32 s11, s7;
	s4 =	sadd.s32 s4, s30;
	s11 =	simm.s32 $0x5  }
0x10: {  	s5 =	sadd.s32 $0x13100, s7;
	s6 =	sadd.s32 $0x13380, s7;
	s7 =	sadd.s32 $0x13600, s7  }
.LBB2_1:
0x11: {  	s21 =	simm.s32 @!p0 $0x1C05  }
0x12: {  	[spmem:s10], [sflag:s21] =	dma.local @!p0 [hbm:s0], $0x27100  }
0x13: {  	s21 =	simm.s32 @!p0 $0x5  }
0x14: {  	_ =	swait.ge @!p0 [sflag:s21], $0x27100  }
0x15: {  	[sflag:s21] =	ssyncset.done @!p0 $0x0  }
0x16: {  	[sflag:s21] =	ssyncadd.s32 @!p0 $0xFFFD8F00  }
0x17: {  	[tilespmem:s3], [sflag:$0x5] =	stream.linear.gather [hbm4b:s4+s3], $0x1388, $0x38;
	[tilespmem:$0x17480] =	vst v63  }
0x18: {  	_ =	swait.ge [sflag:s11], $0x1388  }
0x19: {  	[sflag:s11] =	ssyncset.done $0x0  }
0x1a: {  	[sflag:s11] =	ssyncadd.s32 $0xFFFFEC78  }
0x1b: {  	[bflag:$0x0] =	sbarrier.arrive $0xFFFF  }
0x1c: {  	[tilespmem:s13], [sflag:$0x1] =	stream.indirect.gather [spmem:s2], $0x80, s3, s12, $0xb8;
	[tilespmem:$0x17480] =	vst v63  }
0x1d: {  	_ = 	snop  }
0x1e: {  	[tilespmem:s14], [sflag:$0x2] =	stream.indirect.gather [spmem:s2], $0x80, s12, s12, $0xb8;
	[tilespmem:$0x17480] =	vst v63  }
0x1f: {  	_ =	swait.ge [sflag:s15], $0x1400  }
0x20: {  	[sflag:s15] =	ssyncset.done $0x0  }
0x21: {  	s30 =	sadd.s32 $0x0, s9;
	[sflag:s15] =	ssyncadd.s32 $0xFFFFEC00  }
0x22: {  	[hbm4b:s30+s3] =	stream.linear.scatter [tilespmem:s13], [sflag:$0x3], $0x1400, $0x38;
	[tilespmem:$0x17480] =	vst v63  }
0x23: {  	_ =	swait.ge [sflag:s16], $0x1400  }
0x24: {  	[sflag:s16] =	ssyncset.done $0x0  }
0x25: {  	s21 =	sadd.s32 $0x280, s30;
	[sflag:s16] =	ssyncadd.s32 $0xFFFFEC00  }
0x26: {  	[hbm4b:s21+s3] =	stream.linear.scatter [tilespmem:s14], [sflag:$0x4], $0x1400, $0x38;
	[tilespmem:$0x17480] =	vst v63  }
0x27: {  	_ =	swait.ge [sflag:s17], $0x1400  }
0x28: {  	[sflag:s17] =	ssyncset.done $0x0  }
0x29: {  	s31 =	simm.s32 $0x50;
	[sflag:s17] =	ssyncadd.s32 $0xFFFFEC00  }
0x2a: {  	[tilespmem:s13], [sflag:$0x1] =	stream.indirect.gather [spmem:s2], $0x80, s31, s12, $0xb8;
	[tilespmem:$0x17480] =	vst v63  }
0x2b: {  	_ =	swait.ge [sflag:s18], $0x1400  }
0x2c: {  	s22 =	simm.s32 $0x500;
	[sflag:s18] =	ssyncset.done $0x0  }
0x2d: {  	s23 =	simm.s32 $0xC8;
	s21 =	simm.s32 $0x78;
	[sflag:s18] =	ssyncadd.s32 $0xFFFFEC00  }
.LBB2_2:
0x2e: {  	[tilespmem:s14], [sflag:$0x2] =	stream.indirect.gather [spmem:s2], $0x80, s21, s12, $0xb8;
	[tilespmem:$0x17480] =	vst v63  }
0x2f: {  	s24 =	smov.u32 s22;
	s21 =	smov.u32 s23  }
0x30: {  	p1 =	sne.s32 s22, $0x12C00;
	s22 =	sadd.s32 $0x500, s22;
	_ =	swait.ge [sflag:s15], $0x1400  }
0x31: {  	[sflag:s15] =	ssyncset.done $0x0  }
0x32: {  	s24 =	sadd.s32 s24, s9;
	[sflag:s15] =	ssyncadd.s32 $0xFFFFEC00  }
0x33: {  	[hbm4b:s24+s3] =	stream.linear.scatter [tilespmem:s13], [sflag:$0x3], $0x1400, $0x38;
	[tilespmem:$0x17480] =	vst v63  }
0x34: {  	_ =	swait.ge [sflag:s16], $0x1400  }
0x35: {  	[sflag:s16] =	ssyncset.done $0x0  }
0x36: {  	s24 =	sadd.s32 $0x280, s24;
	[sflag:s16] =	ssyncadd.s32 $0xFFFFEC00  }
0x37: {  	[hbm4b:s24+s3] =	stream.linear.scatter [tilespmem:s14], [sflag:$0x4], $0x1400, $0x38;
	[tilespmem:$0x17480] =	vst v63  }
0x38: {  	_ =	swait.ge [sflag:s17], $0x1400  }
0x39: {  	[sflag:s17] =	ssyncset.done $0x0  }
.Ltmp0:
0x3a: {  	s24 =	sadd.s32 $0xFFFFFFD8, s23;
	[sflag:s17] =	ssyncadd.s32 $0xFFFFEC00;
	(pc) =	sbr.rel @p1 .LBB2_2-.Ltmp0, $4  }
0x3b: {  	[tilespmem:s13], [sflag:$0x1] =	stream.indirect.gather [spmem:s2], $0x80, s24, s12, $0xb8;
	[tilespmem:$0x17480] =	vst v63  }
0x3c: {  	_ =	swait.ge [sflag:s18], $0x1400  }
0x3d: {  	[sflag:s18] =	ssyncset.done $0x0  }
0x3e: {  	s23 =	sadd.s32 $0x50, s23;
	[sflag:s18] =	ssyncadd.s32 $0xFFFFEC00  }
0x3f: {  	[tilespmem:s14], [sflag:$0x2] =	stream.indirect.gather [spmem:s2], $0x80, s21, s12, $0xb8;
	[tilespmem:$0x17480] =	vst v63  }
0x40: {  	_ =	swait.ge [sflag:s15], $0x1400  }
0x41: {  	[sflag:s15] =	ssyncset.done $0x0  }
0x42: {  	[sflag:s15] =	ssyncadd.s32 $0xFFFFEC00  }
0x43: {  	[hbm4b:s5+s3] =	stream.linear.scatter [tilespmem:s13], [sflag:$0x3], $0x1400, $0x38;
	[tilespmem:$0x17480] =	vst v63  }
0x44: {  	_ =	swait.ge [sflag:s16], $0x1400  }
0x45: {  	[sflag:s16] =	ssyncset.done $0x0  }
0x46: {  	[sflag:s16] =	ssyncadd.s32 $0xFFFFEC00  }
0x47: {  	[hbm4b:s6+s3] =	stream.linear.scatter [tilespmem:s14], [sflag:$0x4], $0x1400, $0x38;
	[tilespmem:$0x17480] =	vst v63  }
0x48: {  	_ =	swait.ge [sflag:s17], $0x1400  }
0x49: {  	[sflag:s17] =	ssyncset.done $0x0  }
0x4a: {  	[sflag:s17] =	ssyncadd.s32 $0xFFFFEC00  }
0x4b: {  	[tilespmem:s13], [sflag:$0x1] =	stream.indirect.gather [spmem:s2], $0x80, s19, s12, $0xb8;
	[tilespmem:$0x17480] =	vst v63  }
0x4c: {  	_ =	swait.ge [sflag:s18], $0x1400  }
0x4d: {  	[sflag:s18] =	ssyncset.done $0x0  }
0x4e: {  	[sflag:s18] =	ssyncadd.s32 $0xFFFFEC00  }
0x4f: {  	s20 =	sadd.s32 $0x1, s20;
	_ =	swait.ge [sflag:s15], $0x1400  }
0x50: {  	p1 =	sne.s32 s20, s8;
	[sflag:s15] =	ssyncset.done $0x0  }
.Ltmp1:
0x51: {  	[sflag:s15] =	ssyncadd.s32 $0xFFFFEC00;
	(pc) =	sbr.rel @p1 .LBB2_1-.Ltmp1, $4  }
0x52: {  	[hbm4b:s7+s3] =	stream.linear.scatter [tilespmem:s13], [sflag:$0x3], $0x1400, $0x38;
	[tilespmem:$0x17480] =	vst v63  }
0x53: {  	_ =	swait.ge [sflag:s17], $0x1400  }
0x54: {  	[sflag:s17] =	ssyncset.done $0x0  }
0x55: {  	[sflag:s17] =	ssyncadd.s32 $0xFFFFEC00  }
0x56: {  	_ =	sfence.sel $0x180000  }
0x57: {  	[bflag:$0x0] =	sbarrier.arrive $0xFFFF  }
0x58: {  	_ =	strace $0x90000047  }
0x59: {  	s0 =	sadd.s32 @!p0 $0x100000, s1;
	[bflag:$0x2] =	sbarrier.arrive $0xFFFF  }
0x5a: {  	[sflag:s0] =	ssyncadd.tile.s32 @!p0 $0x1;
	_ =	shalt  }
.Lfunc_end2:
_tile_overlayer_lowered:
.L_overlay_start_2:
0x5b: {  	(tag) =	ssettag $0x2  }
0x5c: {  	s0 =	rddreg [dreg:$0x0];
	s2 =	stileid.u32  }
0x5d: {  	s1 =	rddreg [dreg:$0x1];
	p0 =	sne.s32 s2, $0x0  }
0x5e: {  	s3 =	rddreg [dreg:$0x2];
	[bflag:$0x3] =	sbarrier.arrive $0xFFFF;
	s2 =	simm.s32 @!p0 $0x1C05  }
0x5f: {  	[timem:s3], [sflag:s2] =	dma.local @!p0 [hbm:s0], s1  }
0x60: {  	s0 =	simm.s32 @!p0 $0x5  }
0x61: {  	_ =	swait.ge @!p0 [sflag:s0], s1  }
0x62: {  	s1 =	ssub.s32 @!p0 $0x0, s1;
	[sflag:s0] =	ssyncset.done @!p0 $0x0  }
0x63: {  	[sflag:s0] =	ssyncadd.s32 @!p0 s1  }
0x64: {  	[bflag:$0x3] =	sbarrier.arrive $0xFFFF  }
0x65: {  	_ =	shalt  }

// kernel: kernel.9.cloned.1.call-start
scs
__scs_entry_jumppad:
0x0: {  	(pc) =	sbr.rel $0x88, $3  }
0x1: {  	(tag) =	ssettag $0x0;
	lr =	simm.s32 $0x1  }
0x2: {  	[smem:$0x3F98] =	sst lr;
	_ =	strace $0xD0000000  }
0x3: {  	_ = 	snop  }
0x4: {  	_ = 	snop  }
0x5: {  	_ = 	snop  }
0x6: {  	_ = 	snop  }
0x7: {  	_ = 	snop  }
__scs_overlays_trampoline_lowered:
0x8: {  	[smem:$0x3FA7] =	sst s0  }
0x9: {  	[smem:$0x3FA8] =	sst s1  }
0xa: {  	[smem:$0x3FA9] =	sst s2  }
0xb: {  	[smem:$0x3FAA] =	sst s3  }
0xc: {  	[smem:$0x3FAB] =	sst s4  }
0xd: {  	[smem:$0x3FAC] =	sst s5  }
0xe: {  	[smem:$0x3FAD] =	sst s6  }
0xf: {  	[smem:$0x3FAE] =	sst s7  }
0x10: {  	[smem:$0x3FAF] =	sst s8  }
0x11: {  	[smem:$0x3FB0] =	sst s9;
	s0 =	simm.s32 @!p0 $0x0  }
0x12: {  	s1 =	sld [smem:$0x3F96];
	s0 =	simm.s32 @p0 $0x1  }
0x13: {  	[smem:$0x3FB1] =	sst s0;
	s0 =	simm.s32 @!p1 $0x0  }
0x14: {  	s2 =	sld [smem:$0x3F95];
	s0 =	simm.s32 @p1 $0x1  }
0x15: {  	[smem:$0x3FB2] =	sst s0;
	s0 =	simm.s32 @!p2 $0x0  }
0x16: {  	s3 =	sld [smem:$0x3FDB];
	s0 =	simm.s32 @p2 $0x1  }
0x17: {  	s4 =	simm.s32 $0x1BF5;
	[smem:$0x3FB4] =	sst s0  }
0x18: {  	s0 =	sld [smem:$0x3F97];
	_ =	swait.ge [sflag:s4], $0x0  }
0x19: {  	s7 =	sld [smem:$0x3F98]  }
0x1a: {  	s8 =	sadd.s32 $0xFFFFE003, lr  }
0x1b: {  	s9 =	sadd.s32 $0xFFFFFEF7, lr;
	s5 =	simm.s32 $0xFFFFFFFF;
	p2 =	slt.u32 s8, $0xFFFFF086  }
0x1c: {  	p1 =	slt.u32 s9, $0xF7A;
	s5 =	simm.s32 @!p2 $0x0  }
0x1d: {  	s5 =	simm.s32 @p1 $0x1;
	p0 =	seq.s32 s7, s2  }
0x1e: {  	s7 =	smul.u32 @!p0 $0xF7A, s2;
	p2 =	seq.s32 @!p0 s5, $0x0  }
0x1f: {  	s9 =	smul.u32 $0xF7A, s1;
	s8 =	simm.s32 @!p0 $0x1BF5;
	p2 =	por !p2, p0  }
0x20: {  	[sflag:s8] =	ssyncset.s32 @!p0 $0xFFFFF086;
	s6 =	sadd.s32 @!p0 s3, s7;
	s7 =	simm.s32 @!p0 $0x108  }
0x21: {  	s3 =	sadd.s32 s3, s9;
	s6 =	sadd.s32 @!p0 $0x88, s6;
	s7 =	simm.s32 @p2 $0x1082  }
0x22: {  	[simem:s7], [sflag:s8] =	dma.local @!p0 [hbm:s6], $0xF7A  }
0x23: {  	s9 =	sor.u32 $0xD0000000, s2;
	s6 =	simm.s32 $0x108;
	_ =	swait.ge @!p0 [sflag:s8], $0x0  }
0x24: {  	s3 =	sadd.s32 $0x88, s3;
	s6 =	simm.s32 @!p1 $0x1082;
	[sflag:s4] =	ssyncset.s32 $0xFFFFF086  }
0x25: {  	[simem:s6], [sflag:s4] =	dma.local [hbm:s3], $0xF7A  }
0x26: {  	[smem:$0x3F98] =	sst s1;
	(tag) =	ssettag s2;
	_ =	strace s9  }
0x27: {  	s1 =	sld [smem:$0x3FA8]  }
0x28: {  	s2 =	sld [smem:$0x3FA9]  }
0x29: {  	s4 =	sld [smem:$0x3FAB]  }
0x2a: {  	p0 =	seq.s32 s5, $0x0;
	s5 =	sld [smem:$0x3FAC]  }
0x2b: {  	s6 =	sld [smem:$0x3FAD]  }
0x2c: {  	s7 =	sld [smem:$0x3FAE]  }
0x2d: {  	s3 =	simm.s32 $0x108;
	s8 =	sld [smem:$0x3FAF]  }
0x2e: {  	s3 =	simm.s32 @!p0 $0x1082;
	s9 =	sld [smem:$0x3FB0]  }
0x2f: {  	lr =	sadd.s32 s0, s3;
	s0 =	sld [smem:$0x3FA7]  }
0x30: {  	s3 =	sld [smem:$0x3FAA]  }
0x31: {  	[smem:$0x3FB3] =	sst s10  }
0x32: {  	s10 =	sld [smem:$0x3FB1];
	_ =	sdelay $0x3  }
0x33: {  	p0 =	seq.s32 s10, $0x1;
	s10 =	sld [smem:$0x3FB3];
	_ =	sdelay $0x3  }
0x34: {  	[smem:$0x3FB3] =	sst s10  }
0x35: {  	s10 =	sld [smem:$0x3FB2];
	_ =	sdelay $0x3  }
0x36: {  	p1 =	seq.s32 s10, $0x1;
	s10 =	sld [smem:$0x3FB3];
	_ =	sdelay $0x3  }
0x37: {  	[smem:$0x3FB3] =	sst s10  }
0x38: {  	s10 =	sld [smem:$0x3FB4]  }
0x39: {  	_ = 	snop;
	(pc) =	sbr.ind lr, $3  }
0x3a: {  	_ = 	snop  }
0x3b: {  	_ = 	snop  }
0x3c: {  	p2 =	seq.s32 s10, $0x1;
	s10 =	sld [smem:$0x3FB3]  }
0x3d: {  	_ =	shalt  }
0x3e: {  	_ =	shalt  }
0x3f: {  	_ =	shalt  }
0x40: {  	_ =	shalt  }
0x41: {  	_ =	shalt  }
0x42: {  	_ =	shalt  }
0x43: {  	_ =	shalt  }
0x44: {  	_ =	shalt  }
0x45: {  	_ =	shalt  }
0x46: {  	_ =	shalt  }
0x47: {  	_ =	shalt  }
0x48: {  	_ =	shalt  }
0x49: {  	_ =	shalt  }
0x4a: {  	_ =	shalt  }
0x4b: {  	_ =	shalt  }
0x4c: {  	_ =	shalt  }
0x4d: {  	_ =	shalt  }
0x4e: {  	_ =	shalt  }
0x4f: {  	_ =	shalt  }
0x50: {  	_ =	shalt  }
0x51: {  	_ =	shalt  }
0x52: {  	_ =	shalt  }
0x53: {  	_ =	shalt  }
0x54: {  	_ =	shalt  }
0x55: {  	_ =	shalt  }
0x56: {  	_ =	shalt  }
0x57: {  	_ =	shalt  }
0x58: {  	_ =	shalt  }
0x59: {  	_ =	shalt  }
0x5a: {  	_ =	shalt  }
0x5b: {  	_ =	shalt  }
0x5c: {  	_ =	shalt  }
0x5d: {  	_ =	shalt  }
0x5e: {  	_ =	shalt  }
0x5f: {  	_ =	shalt  }
0x60: {  	_ =	shalt  }
0x61: {  	_ =	shalt  }
0x62: {  	_ =	shalt  }
0x63: {  	_ =	shalt  }
0x64: {  	_ =	shalt  }
0x65: {  	_ =	shalt  }
0x66: {  	_ =	shalt  }
0x67: {  	_ =	shalt  }
0x68: {  	_ =	shalt  }
0x69: {  	_ =	shalt  }
0x6a: {  	_ =	shalt  }
0x6b: {  	_ =	shalt  }
0x6c: {  	_ =	shalt  }
0x6d: {  	_ =	shalt  }
0x6e: {  	_ =	shalt  }
0x6f: {  	_ =	shalt  }
0x70: {  	_ =	shalt  }
0x71: {  	_ =	shalt  }
0x72: {  	_ =	shalt  }
0x73: {  	_ =	shalt  }
0x74: {  	_ =	shalt  }
0x75: {  	_ =	shalt  }
0x76: {  	_ =	shalt  }
0x77: {  	_ =	shalt  }
0x78: {  	_ =	shalt  }
0x79: {  	_ =	shalt  }
0x7a: {  	_ =	shalt  }
0x7b: {  	_ =	shalt  }
0x7c: {  	_ =	shalt  }
0x7d: {  	_ =	shalt  }
0x7e: {  	_ =	shalt  }
0x7f: {  	_ =	shalt  }
0x80: {  	_ =	shalt  }
0x81: {  	_ =	shalt  }
0x82: {  	_ =	shalt  }
0x83: {  	_ =	shalt  }
0x84: {  	_ =	shalt  }
0x85: {  	_ =	shalt  }
0x86: {  	_ =	shalt  }
0x87: {  	_ =	shalt  }
.Lfunc_end0:
.L_simem_size_0:
called_computation_lowered:
.L_overlay_start_0:
0x88: {  	s2 =	sld [smem:$0x3FD9]  }
0x89: {  	s3 =	sld [smem:$0x3FFE];
	_ =	sdelay $0x1  }
0x8a: {  	s1 =	srdreg.scid  }
0x8b: {  	s0 =	sand.u32 $0x1, s1  }
0x8c: {  	s17 =	sshll.u32 s0, $0xA;
	s2 =	sadd.s32 s3, s2  }
0x8d: {  	s2 =	sadd.s32 s2, s17  }
0x8e: {  	[smem:$0x3FBF] =	sst s2  }
0x8f: {  	_ = 	snop  }
0x90: {  	s18 =	sld [smem:$0x3FC9];
	(tm) =	ssettm $0x1  }
0x91: {  	s19 =	sld [smem:$0x3FFB];
	_ =	sdelay $0x3  }
0x92: {  	_ =	strace s19  }
0x93: {  	s2 =	sld [smem:$0x3FFC];
	_ =	sdelay $0x3  }
0x94: {  	_ =	strace s2  }
0x95: {  	s2 =	sld [smem:$0x3FFD];
	_ =	sdelay $0x3  }
0x96: {  	_ =	strace s2  }
0x97: {  	_ =	strace $0x8FFFFFFF  }
0x98: {  	s20 =	sld [smem:$0x3FDB];
	_ =	sdelay $0x1  }
0x99: {  	s4 =	simm.s32 $_scs_section_size  }
0x9a: {  	s5 =	simm.s32 $_size__tile_overlayer_lowered;
	s6 =	simm.s32 $_tile_overlayer_lowered  }
0x9b: {  	s7 =	simm.s32 $0x1BFF;
	s21 =	sshll.u32 s6, $0x1;
	s4 =	sadd.s32 s4, s20  }
0x9c: {  	s22 =	simm.s32 $0x0;
	s5 =	sshll.u32 s5, $0x1;
	s6 =	sadd.s32 s21, s4  }
0x9d: {  	[timem:s22], [sflag:s7] =	dma.local [hbm:s6], s5  }
0x9e: {  	_ =	swait.ge [sflag:s7], s5  }
0x9f: {  	s5 =	ssub.s32 $0x0, s5;
	[sflag:s7] =	ssyncset.done $0x0  }
0xa0: {  	[sflag:s7] =	ssyncadd.s32 s5;
	_ =	sdelay $0x1  }
0xa1: {  	s23 =	simm.s32 $0x1B8B  }
0xa2: {  	_ =	swait.ge [sflag:s23], $0x1  }
0xa3: {  	[sflag:s23] =	ssyncset.done $0x0  }
0xa4: {  	[sflag:s23] =	ssyncadd.s32 $0xFFFFFFFF  }
0xa5: {  	s5 =	sld [smem:$0x0]  }
0xa6: {  	s6 =	sand.u32 $0xFFFFFFFE, s1  }
0xa7: {  	p0 =	sne.s32 s1, s6  }
0xa8: {  	s6 =	sshll.u32 @p0 s6, $0xE  }
0xa9: {  	s6 =	sadd.s32 @p0 $0x11B8D, s6;
	s7 =	sshll.u32 @p0 s5, $0x11  }
0xaa: {  	s6 =	sor.u32 @p0 s7, s6  }
0xab: {  	[sflag:s6] =	ssyncadd.remote.s32 @p0 $0x1;
	_ =	sdelay $0x1  }
0xac: {  	s6 =	simm.s32 @p0 $0x1B8D  }
0xad: {  	_ =	swait.eq @p0 [sflag:s6], $0x1  }
0xae: {  	[sflag:s6] =	ssyncadd.s32 @p0 $0xFFFFFFFF  }
0xaf: {  	s7 =	sshll.u32 @!p0 s1, $0xE  }
0xb0: {  	s7 =	sor.u32 @!p0 $0x4000, s7;
	s6 =	simm.s32 @!p0 $0x1B8D  }
0xb1: {  	s5 =	sshll.u32 @!p0 s5, $0x11;
	s7 =	sadd.s32 @!p0 $0x11B8D, s7;
	_ =	swait.eq @!p0 [sflag:s6], $0x1  }
0xb2: {  	s5 =	sor.u32 @!p0 s5, s7;
	[sflag:s6] =	ssyncadd.s32 @!p0 $0xFFFFFFFF  }
0xb3: {  	s25 =	simm.s32 $0x1B8E;
	s24 =	sld [smem:$0x3FFE];
	[sflag:s5] =	ssyncadd.remote.s32 @!p0 $0x1  }
0xb4: {  	s26 =	simm.s32 $execute0_lowered;
	[smem:$0x3FD2] =	sst s25  }
0xb5: {  	s6 =	sshll.u32 s26, $0x1;
	_ =	strace $0x80000049;
	[dreg:$0x1] =	wrdreg $0xFFFFFFFF  }
0xb6: {  	s28 =	simm.s32 $_size_execute0_lowered;
	s4 =	sadd.s32 s4, s6;
	[dreg:$0x0] =	wrdreg $0x0  }
0xb7: {  	s6 =	sshll.u32 s28, $0x1;
	[dreg:$0x2] =	wrdreg s4  }
0xb8: {  	[dreg:$0x3] =	wrdreg s6  }
0xb9: {  	[dreg:$0x4] =	wrdreg $0xC0  }
0xba: {  	_ =	task [dreg:s22], $0x5FFFF  }
0xbb: {  	[dreg:$0x1] =	wrdreg $0xFFFFFFFF  }
0xbc: {  	[dreg:$0x0] =	wrdreg $0x60  }
0xbd: {  	[dreg:$0x2] =	wrdreg s18  }
0xbe: {  	[dreg:$0x3] =	wrdreg s24  }
0xbf: {  	[dreg:$0x4] =	wrdreg $0x3C000  }
0xc0: {  	[dreg:$0x5] =	wrdreg $0x9  }
0xc1: {  	_ =	task.clear_ibuf [dreg:s22], $0x6FFFF;
	_ =	strace $0x90000049  }
0xc2: {  	s29 =	simm.s32 $0x9;
	_ =	strace $0x8000004B  }
0xc3: {  	_ =	swait.ge [sflag:s29], $0x1  }
0xc4: {  	[sflag:s29] =	ssyncadd.s32 $0xFFFFFFFF  }
0xc5: {  	_ =	strace $0x9000004B  }
0xc6: {  	_ =	sfence  }
0xc7: {  	s30 =	sld [smem:$0x0];
	_ =	sdelay $0x2  }
0xc8: {  	s31 =	sshll.u32 s1, $0xD;
	s1 =	sshrl.u32 s1, $0x2  }
0xc9: {  	s4 =	sand.u32 $0x4000, s31;
	s1 =	sadd.s32 s1, s30  }
0xca: {  	s0 =	sor.u32 s4, s0;
	s1 =	sshll.u32 s1, $0x11  }
0xcb: {  	s0 =	sor.u32 s1, s0  }
0xcc: {  	s0 =	sadd.s32 $0x8F2B, s0  }
0xcd: {  	[sflag:s0] =	ssyncadd.remote.s32 $0x1  }
0xce: {  	_ =	sfence.sel $0xFFFF  }
0xcf: {  	[dreg:$0x0] =	wrdreg $0xFFFFFFFF;
	(pc) =	sbr.abs _section_cstart, $3  }
0xd0: {  	[dreg:$0x1] =	wrdreg $0xFFFFFFFF  }
0xd1: {  	_ =	task.clear_ibuf [dreg:s22], $0x2FFFF;
	_ =	strace $0x9FFFFFFF  }
0xd2: {  	(tm) =	ssettm $0x7FFFFFFF  }
0xd3: {  	_ =	shalt  }
tec
execute0_lowered:
.L_overlay_start_1:
0x0: {  	(tag) =	ssettag $0x1  }
0x1: {  	s0 =	rddreg [dreg:$0x0];
	s1 =	srdreg.scid  }
0x2: {  	s9 =	stileid.u32;
	s4 =	rddreg [dreg:$0x1]  }
0x3: {  	s2 =	rddreg [dreg:$0x2];
	s3 =	simm.s32 $0x0;
	s14 =	simm.s32 $0x2800  }
0x4: {  	s15 =	simm.s32 $0x1;
	s16 =	simm.s32 $0x2;
	s17 =	simm.s32 $0x3  }
0x5: {  	s18 =	simm.s32 $0x4;
	s19 =	simm.s32 $0x1360;
	s20 =	simm.s32 $0x0  }
0x6: {  	s8 =	sand.u32 $0x1, s1;
	s30 =	sshll.u32 s9, $0x1;
	s1 =	rddreg [dreg:$0x3]  }
0x7: {  	[smem:$0x7FF] =	sst s3;
	s12 =	smul.u32 $0x27100, s9;
	s5 =	sor.u32 s8, s30  }
0x8: {  	s10 =	sadd.s32 $0x278400, s4;
	s7 =	ssub.s32 $0x2, s8;
	s6 =	smul.u32 $0x1388, s5  }
0x9: {  	p0 =	sne.s32 s9, $0x0;
	s5 =	smul.u32 $0x9C400, s5;
	s11 =	sshrl.u32 s7, $0x1  }
0xa: {  	_ =	strace $0x8000004A;
	s13 =	smul.u32 $0x13880, s8;
	s11 =	ssub.s32 s7, s11  }
0xb: {  	s6 =	sshrl.u32 s6, $0x3;
	s5 =	sshrl.u32 s5, $0x3;
	s8 =	smax.u32 s11, $0x1  }
0xc: {  	s11 =	simm.s32 $0x5;
	s4 =	sadd.s32 s6, s4;
	s31 =	sadd.s32 s10, s5  }
0xd: {  	s10 =	sadd.s32 s12, s10;
	s12 =	simm.s32 $0x28;
	s4 =	sadd.s32 $0x273400, s4  }
0xe: {  	s5 =	sadd.s32 $0x13100, s31;
	s6 =	sadd.s32 $0x13380, s31;
	s7 =	sadd.s32 $0x13600, s31  }
0xf: {  	s9 =	sadd.s32 s13, s10;
	s10 =	sshrl.u32 @!p0 s2, $0x3;
	s13 =	simm.s32 $0x1400  }
.LBB2_1:
0x10: {  	s21 =	simm.s32 @!p0 $0x1C05  }
0x11: {  	[spmem:s10], [sflag:s21] =	dma.local @!p0 [hbm:s0], $0x27100  }
0x12: {  	s21 =	simm.s32 @!p0 $0x5  }
0x13: {  	_ =	swait.ge @!p0 [sflag:s21], $0x27100  }
0x14: {  	[sflag:s21] =	ssyncset.done @!p0 $0x0  }
0x15: {  	[sflag:s21] =	ssyncadd.s32 @!p0 $0xFFFD8F00  }
0x16: {  	[tilespmem:s3], [sflag:$0x5] =	stream.linear.gather [hbm4b:s4+s3], $0x1388, $0x38;
	[tilespmem:$0x17480] =	vst v63  }
0x17: {  	_ =	swait.ge [sflag:s11], $0x1388  }
0x18: {  	[sflag:s11] =	ssyncset.done $0x0  }
0x19: {  	[sflag:s11] =	ssyncadd.s32 $0xFFFFEC78  }
0x1a: {  	[bflag:$0x0] =	sbarrier.arrive $0xFFFF  }
0x1b: {  	[tilespmem:s13], [sflag:$0x1] =	stream.indirect.gather [spmem:s2], $0x80, s3, s12, $0xb8;
	[tilespmem:$0x17480] =	vst v63  }
0x1c: {  	_ = 	snop  }
0x1d: {  	[tilespmem:s14], [sflag:$0x2] =	stream.indirect.gather [spmem:s2], $0x80, s12, s12, $0xb8;
	[tilespmem:$0x17480] =	vst v63  }
0x1e: {  	_ =	swait.ge [sflag:s15], $0x1400  }
0x1f: {  	[sflag:s15] =	ssyncset.done $0x0  }
0x20: {  	s30 =	sadd.s32 $0x0, s9;
	[sflag:s15] =	ssyncadd.s32 $0xFFFFEC00  }
0x21: {  	[hbm4b:s30+s3] =	stream.linear.scatter [tilespmem:s13], [sflag:$0x3], $0x1400, $0x38;
	[tilespmem:$0x17480] =	vst v63  }
0x22: {  	_ =	swait.ge [sflag:s16], $0x1400  }
0x23: {  	[sflag:s16] =	ssyncset.done $0x0  }
0x24: {  	s21 =	sadd.s32 $0x280, s30;
	[sflag:s16] =	ssyncadd.s32 $0xFFFFEC00  }
0x25: {  	[hbm4b:s21+s3] =	stream.linear.scatter [tilespmem:s14], [sflag:$0x4], $0x1400, $0x38;
	[tilespmem:$0x17480] =	vst v63  }
0x26: {  	_ =	swait.ge [sflag:s17], $0x1400  }
0x27: {  	[sflag:s17] =	ssyncset.done $0x0  }
0x28: {  	s31 =	simm.s32 $0x50;
	[sflag:s17] =	ssyncadd.s32 $0xFFFFEC00  }
0x29: {  	[tilespmem:s13], [sflag:$0x1] =	stream.indirect.gather [spmem:s2], $0x80, s31, s12, $0xb8;
	[tilespmem:$0x17480] =	vst v63  }
0x2a: {  	_ =	swait.ge [sflag:s18], $0x1400  }
0x2b: {  	s22 =	simm.s32 $0x500;
	[sflag:s18] =	ssyncset.done $0x0  }
0x2c: {  	s23 =	simm.s32 $0xC8;
	s21 =	simm.s32 $0x78;
	[sflag:s18] =	ssyncadd.s32 $0xFFFFEC00  }
.LBB2_2:
0x2d: {  	[tilespmem:s14], [sflag:$0x2] =	stream.indirect.gather [spmem:s2], $0x80, s21, s12, $0xb8;
	[tilespmem:$0x17480] =	vst v63  }
0x2e: {  	s24 =	smov.u32 s22;
	s21 =	smov.u32 s23  }
0x2f: {  	p1 =	sne.s32 s22, $0x12C00;
	s22 =	sadd.s32 $0x500, s22;
	_ =	swait.ge [sflag:s15], $0x1400  }
0x30: {  	[sflag:s15] =	ssyncset.done $0x0  }
0x31: {  	s24 =	sadd.s32 s24, s9;
	[sflag:s15] =	ssyncadd.s32 $0xFFFFEC00  }
0x32: {  	[hbm4b:s24+s3] =	stream.linear.scatter [tilespmem:s13], [sflag:$0x3], $0x1400, $0x38;
	[tilespmem:$0x17480] =	vst v63  }
0x33: {  	_ =	swait.ge [sflag:s16], $0x1400  }
0x34: {  	[sflag:s16] =	ssyncset.done $0x0  }
0x35: {  	s24 =	sadd.s32 $0x280, s24;
	[sflag:s16] =	ssyncadd.s32 $0xFFFFEC00  }
0x36: {  	[hbm4b:s24+s3] =	stream.linear.scatter [tilespmem:s14], [sflag:$0x4], $0x1400, $0x38;
	[tilespmem:$0x17480] =	vst v63  }
0x37: {  	_ =	swait.ge [sflag:s17], $0x1400  }
0x38: {  	[sflag:s17] =	ssyncset.done $0x0  }
.Ltmp0:
0x39: {  	s24 =	sadd.s32 $0xFFFFFFD8, s23;
	[sflag:s17] =	ssyncadd.s32 $0xFFFFEC00;
	(pc) =	sbr.rel @p1 .LBB2_2-.Ltmp0, $4  }
0x3a: {  	[tilespmem:s13], [sflag:$0x1] =	stream.indirect.gather [spmem:s2], $0x80, s24, s12, $0xb8;
	[tilespmem:$0x17480] =	vst v63  }
0x3b: {  	_ =	swait.ge [sflag:s18], $0x1400  }
0x3c: {  	[sflag:s18] =	ssyncset.done $0x0  }
0x3d: {  	s23 =	sadd.s32 $0x50, s23;
	[sflag:s18] =	ssyncadd.s32 $0xFFFFEC00  }
0x3e: {  	[tilespmem:s14], [sflag:$0x2] =	stream.indirect.gather [spmem:s2], $0x80, s21, s12, $0xb8;
	[tilespmem:$0x17480] =	vst v63  }
0x3f: {  	_ =	swait.ge [sflag:s15], $0x1400  }
0x40: {  	[sflag:s15] =	ssyncset.done $0x0  }
0x41: {  	[sflag:s15] =	ssyncadd.s32 $0xFFFFEC00  }
0x42: {  	[hbm4b:s5+s3] =	stream.linear.scatter [tilespmem:s13], [sflag:$0x3], $0x1400, $0x38;
	[tilespmem:$0x17480] =	vst v63  }
0x43: {  	_ =	swait.ge [sflag:s16], $0x1400  }
0x44: {  	[sflag:s16] =	ssyncset.done $0x0  }
0x45: {  	[sflag:s16] =	ssyncadd.s32 $0xFFFFEC00  }
0x46: {  	[hbm4b:s6+s3] =	stream.linear.scatter [tilespmem:s14], [sflag:$0x4], $0x1400, $0x38;
	[tilespmem:$0x17480] =	vst v63  }
0x47: {  	_ =	swait.ge [sflag:s17], $0x1400  }
0x48: {  	[sflag:s17] =	ssyncset.done $0x0  }
0x49: {  	[sflag:s17] =	ssyncadd.s32 $0xFFFFEC00  }
0x4a: {  	[tilespmem:s13], [sflag:$0x1] =	stream.indirect.gather [spmem:s2], $0x80, s19, s12, $0xb8;
	[tilespmem:$0x17480] =	vst v63  }
0x4b: {  	_ =	swait.ge [sflag:s18], $0x1400  }
0x4c: {  	[sflag:s18] =	ssyncset.done $0x0  }
0x4d: {  	[sflag:s18] =	ssyncadd.s32 $0xFFFFEC00  }
0x4e: {  	s20 =	sadd.s32 $0x1, s20;
	_ =	swait.ge [sflag:s15], $0x1400  }
0x4f: {  	p1 =	sne.s32 s20, s8;
	[sflag:s15] =	ssyncset.done $0x0  }
.Ltmp1:
0x50: {  	[sflag:s15] =	ssyncadd.s32 $0xFFFFEC00;
	(pc) =	sbr.rel @p1 .LBB2_1-.Ltmp1, $4  }
0x51: {  	[hbm4b:s7+s3] =	stream.linear.scatter [tilespmem:s13], [sflag:$0x3], $0x1400, $0x38;
	[tilespmem:$0x17480] =	vst v63  }
0x52: {  	_ =	swait.ge [sflag:s17], $0x1400  }
0x53: {  	[sflag:s17] =	ssyncset.done $0x0  }
0x54: {  	[sflag:s17] =	ssyncadd.s32 $0xFFFFEC00  }
0x55: {  	_ =	sfence.sel $0x180000  }
0x56: {  	[bflag:$0x0] =	sbarrier.arrive $0xFFFF  }
0x57: {  	_ =	strace $0x9000004A  }
0x58: {  	s0 =	sadd.s32 @!p0 $0x100000, s1;
	[bflag:$0x2] =	sbarrier.arrive $0xFFFF  }
0x59: {  	[sflag:s0] =	ssyncadd.tile.s32 @!p0 $0x1;
	_ =	shalt  }
.Lfunc_end2:
_tile_overlayer_lowered:
.L_overlay_start_2:
0x5a: {  	(tag) =	ssettag $0x2  }
0x5b: {  	s0 =	rddreg [dreg:$0x0];
	s2 =	stileid.u32  }
0x5c: {  	s1 =	rddreg [dreg:$0x1];
	p0 =	sne.s32 s2, $0x0  }
0x5d: {  	s3 =	rddreg [dreg:$0x2];
	[bflag:$0x3] =	sbarrier.arrive $0xFFFF;
	s2 =	simm.s32 @!p0 $0x1C05  }
0x5e: {  	[timem:s3], [sflag:s2] =	dma.local @!p0 [hbm:s0], s1  }
0x5f: {  	s0 =	simm.s32 @!p0 $0x5  }
0x60: {  	_ =	swait.ge @!p0 [sflag:s0], s1  }
0x61: {  	s1 =	ssub.s32 @!p0 $0x0, s1;
	[sflag:s0] =	ssyncset.done @!p0 $0x0  }
0x62: {  	[sflag:s0] =	ssyncadd.s32 @!p0 s1  }
0x63: {  	[bflag:$0x3] =	sbarrier.arrive $0xFFFF  }
0x64: {  	_ =	shalt  }

</sc_bundles>
